<compile_context>
chip_gen: v7x
topology: tpu7x:2x2x1
jax: 0.10.2.dev20260603
libtpu: 0.0.44.dev20260713+nightly
codegen_flags: <defaults>
</compile_context>

<pallas_src>
import functools

import jax
import jax.numpy as jnp
from jax import lax
from jax.experimental import pallas as pl
from jax.experimental.pallas import tpu as pltpu
from jax.experimental.pallas import tpu_sc as plsc

_NC = 2
_NS = 16
_NW = _NC * _NS

_CH = 128


@functools.cache
def _build(B, V2, D2):
    assert B % (_NW * _CH) == 0
    bpw = B // _NW
    nch = bpw // _CH
    D = D2 // 2

    mesh = plsc.VectorSubcoreMesh(core_axis_name="c", subcore_axis_name="s")

    @functools.partial(
        pl.kernel,
        mesh=mesh,
        out_type=jax.ShapeDtypeStruct((B // 2, D2), jnp.float32),
        scratch_types=[
            pltpu.VMEM((bpw + 16,), jnp.int32),
            pltpu.VMEM((bpw,), jnp.int32),
            pltpu.VMEM((_CH, D2), jnp.float32),
            pltpu.VMEM((_CH, D2), jnp.float32),
            pltpu.VMEM((_CH // 2, D2), jnp.float32),
            pltpu.VMEM((_CH // 2, D2), jnp.float32),
            pltpu.SemaphoreType.DMA,
            pltpu.SemaphoreType.DMA,
        ],
    )
    def gather_kernel(table_hbm, idx_hbm, out_hbm, idx_v, idx2_v,
                      g0, g1, t0, t1, gsem, wsem):
        rows = (g0, g1)
        trs = (t0, t1)
        wid = lax.axis_index("s") * _NC + lax.axis_index("c")
        base = wid * bpw
        pltpu.sync_copy(idx_hbm.at[pl.ds(base, bpw)], idx_v.at[pl.ds(0, bpw)])

        def halve(i, c):
            for u in range(4):
                k = i * 64 + u * 16
                idx2_v[pl.ds(k, 16)] = lax.shift_right_logical(
                    idx_v[pl.ds(k, 16)], 1
                )
            return c

        lax.fori_loop(0, bpw // 64, halve, 0)

        def gather_cp(j, slot):
            return pltpu.make_async_copy(
                table_hbm.at[idx2_v.at[pl.ds(j * _CH, _CH)]],
                rows[slot],
                gsem,
            )

        def write_cp(j, slot):
            off = pl.multiple_of((base + j * _CH) // 2, 8)
            return pltpu.make_async_copy(
                trs[slot],
                out_hbm.at[pl.ds(off, _CH // 2)],
                wsem,
            )

        gather_cp(0, 0).start()
        gather_cp(1, 1).start()

        def body(i, carry):
            for par in range(2):
                j = 2 * i + par
                gather_cp(j, par).wait()

                @pl.when(j >= 2)
                def _():
                    write_cp(j - 2, par).wait()

                g = rows[par]
                t = trs[par]

                def extract(b, c):
                    hv = idx_v[pl.ds(j * _CH + b, 16)]
                    h = (hv[0] & 1) * D
                    for dd in range(D // 16):
                        t[b // 2, pl.ds((b % 2) * D + dd * 16, 16)] = (
                            g[b, pl.ds(h + dd * 16, 16)]
                        )
                    return c

                lax.fori_loop(0, _CH, extract, 0)

                write_cp(j, par).start()

                @pl.when(j + 2 < nch)
                def _():
                    gather_cp(j + 2, par).start()

            return carry

        lax.fori_loop(0, nch // 2, body, 0)

        write_cp(nch - 2, 0).wait()
        write_cp(nch - 1, 1).wait()

    return gather_kernel


def kernel(questions, table):
    Bq, S = questions.shape
    V, D = table.shape
    idx = questions.T.reshape(-1).astype(jnp.int32)
    t2 = table.reshape(V // 2, 2 * D)
    out = _build(Bq * S, V // 2, 2 * D)(t2, idx)
    return out.reshape(S, Bq, D).transpose(1, 0, 2)

# --- scband reference (transcript-rebuilt; emitter-appended) ---
"""Pipeline reference for scband-dan-embedding-31559419691563 (READ-ONLY COPY).

The authoritative reference and input builder live on the scoring server;
editing this copy changes nothing except your own understanding.
"""

import jax, jax.numpy as jnp
import numpy as np

VOCAB = 1000000
EMB_DIM = 64
BATCH = 4096
SEQ = 200

def setup_inputs(seed: int = 0) -> dict:
    key = jax.random.key(seed)
    k_idx, k_tab = jax.random.split(key)
    questions = jax.random.randint(k_idx, (BATCH, SEQ), 0, VOCAB, dtype=jnp.int64 if jax.config.jax_enable_x64 else jnp.int32)
    table = jax.random.normal(k_tab, (VOCAB, EMB_DIM), dtype=jnp.float32) * 0.02
    # emulate DanEmbedding's special rows: row 0 is <PAD> (zeros), row 1 is <UNK> (mean of vectors)
    table = table.at[0].set(jnp.zeros((EMB_DIM,), dtype=jnp.float32))
    table = table.at[1].set(jnp.mean(table[2:], axis=0))
    return {"questions": questions, "table": table}

def reference(questions, table):
    # DanEmbedding.forward: nn.Embedding.from_pretrained lookup -> table[indices]
    return jnp.take(table, questions, axis=0)

if __name__ == "__main__":
    import jax
    _d = setup_inputs()
    print(jax.jit(kernel)(*tuple(_d.values())))

</pallas_src>

<mosaic_0001>
#map = affine_map<(d0, d1) -> (0, 0)>
#map1 = affine_map<(d0, d1) -> (0)>
module attributes {stable_mosaic.version = 14 : i64} {
  func.func @gather_kernel(%arg0: i32, %arg1: i32, %arg2: memref<500000x128xf32, #tpu.memory_space<hbm>>, %arg3: memref<819200xi32, #tpu.memory_space<hbm>>, %arg4: memref<409600x128xf32, #tpu.memory_space<hbm>>, %arg5: memref<25616xi32, #tpu.memory_space<vmem>>, %arg6: memref<25600xi32, #tpu.memory_space<vmem>>, %arg7: memref<128x128xf32, #tpu.memory_space<vmem>>, %arg8: memref<128x128xf32, #tpu.memory_space<vmem>>, %arg9: memref<64x128xf32, #tpu.memory_space<vmem>>, %arg10: memref<64x128xf32, #tpu.memory_space<vmem>>, %arg11: memref<!tpu.dma_semaphore, #tpu.memory_space<semaphore_mem>>, %arg12: memref<!tpu.dma_semaphore, #tpu.memory_space<semaphore_mem>>) attributes {dimension_semantics = [#tpu.dimension_semantics<core_parallel>, #tpu.dimension_semantics<subcore_parallel>], iteration_bounds = array<i64: 2, 16>, scalar_prefetch = 0 : i64, scratch_operands = 8 : i64, tpu.core_type = #tpu.core_type<sc_vector_subcore>, window_params = [{transform_indices = #map}, {transform_indices = #map1}, {transform_indices = #map}]} {
    %mul3A = arith.constant 2 : i32
    %mul3A_0 = arith.muli %arg1, %mul3A : i32
    %add3A = arith.addi %mul3A_0, %arg0 : i32
    %mul3A_1 = arith.constant 25600 : i32
    %mul3A_2 = arith.muli %add3A, %mul3A_1 : i32
    "tpu.region"() ({
      %run_scoped3A = tpu.sem_alloc : memref<!tpu.dma_semaphore, #tpu.memory_space<semaphore_mem>>
      %dma_start3A_75 = arith.constant 0 : i32
      %dma_start3A_76 = tpu.memref_slice %arg5[%dma_start3A_75] : memref<25616xi32, #tpu.memory_space<vmem>> -> memref<25600xi32, #tpu.memory_space<vmem>>
      %dma_start3A_77 = tpu.memref_slice %arg3[%mul3A_2] : memref<819200xi32, #tpu.memory_space<hbm>> -> memref<25600xi32, #tpu.memory_space<hbm>>
      %dma_start3A_78 = arith.constant 0 : i32
      %dma_start3A_79 = tpu.memref_slice %arg5[%dma_start3A_78] : memref<25616xi32, #tpu.memory_space<vmem>> -> memref<25600xi32, #tpu.memory_space<vmem>>
      %dma_start3A_80 = tpu.memref_slice %arg3[%mul3A_2] : memref<819200xi32, #tpu.memory_space<hbm>> -> memref<25600xi32, #tpu.memory_space<hbm>>
      tpu.enqueue_dma source(%dma_start3A_80 : memref<25600xi32, #tpu.memory_space<hbm>>) target(%dma_start3A_79 : memref<25600xi32, #tpu.memory_space<vmem>>) target_semaphore(%run_scoped3A : memref<!tpu.dma_semaphore, #tpu.memory_space<semaphore_mem>>)
      %dma_wait3A_81 = arith.constant 0 : i32
      %dma_wait3A_82 = tpu.memref_slice %arg5[%dma_wait3A_81] : memref<25616xi32, #tpu.memory_space<vmem>> -> memref<25600xi32, #tpu.memory_space<vmem>>
      %dma_wait3A_83 = tpu.memref_slice %arg3[%mul3A_2] : memref<819200xi32, #tpu.memory_space<hbm>> -> memref<25600xi32, #tpu.memory_space<hbm>>
      %dma_wait3A_84 = arith.constant 0 : i32
      %dma_wait3A_85 = tpu.memref_slice %arg5[%dma_wait3A_84] : memref<25616xi32, #tpu.memory_space<vmem>> -> memref<25600xi32, #tpu.memory_space<vmem>>
      %dma_wait3A_86 = tpu.memref_slice %arg3[%mul3A_2] : memref<819200xi32, #tpu.memory_space<hbm>> -> memref<25600xi32, #tpu.memory_space<hbm>>
      tpu.wait_dma2 semaphore(%run_scoped3A : memref<!tpu.dma_semaphore, #tpu.memory_space<semaphore_mem>>) src(%dma_wait3A_86 : memref<25600xi32, #tpu.memory_space<hbm>>) dst(%dma_wait3A_85 : memref<25600xi32, #tpu.memory_space<vmem>>)
      tpu.yield
    }) : () -> ()
    %scan3A = arith.constant 0 : i32
    %scan3A_3 = arith.constant 0 : i32
    %scan3A_4 = arith.constant 400 : i32
    %scan3A_5 = arith.addi %scan3A_3, %scan3A_4 : i32
    %scan3A_6 = arith.constant 1 : i32
    scf.for %scan3A_75 = %scan3A_3 to %scan3A_5 step %scan3A_6  : i32 {
      %mul3A_76 = arith.constant 64 : i32
      %mul3A_77 = arith.muli %scan3A_75, %mul3A_76 : i32
      %add3A_78 = arith.constant 0 : i32
      %add3A_79 = arith.addi %mul3A_77, %add3A_78 : i32
      %get3A = arith.index_cast %add3A_79 : i32 to index
      %get3A_80 = tpu.vector_load %arg5[%get3A] {strides = array<i32>} : memref<25616xi32, #tpu.memory_space<vmem>>, vector<16xi32>,
      %get3A_81 = vector.shape_cast %get3A_80 : vector<16xi32> to vector<16xi32>
      %shift_right_logical3A = arith.constant 1 : i32
      %shift_right_logical3A_82 = vector.broadcast %shift_right_logical3A : i32 to vector<16xi32>
      %shift_right_logical3A_83 = arith.shrui %get3A_81, %shift_right_logical3A_82 : vector<16xi32>
      %swap3A = arith.index_cast %add3A_79 : i32 to index
      %swap3A_84 = tpu.vector_load %arg6[%swap3A] {strides = array<i32>} : memref<25600xi32, #tpu.memory_space<vmem>>, vector<16xi32>,
      %swap3A_85 = vector.shape_cast %swap3A_84 : vector<16xi32> to vector<16xi32>
      %swap3A_86 = vector.shape_cast %shift_right_logical3A_83 : vector<16xi32> to vector<16xi32>
      tpu.vector_store %arg6[%swap3A], %swap3A_86 {strides = array<i32>} : memref<25600xi32, #tpu.memory_space<vmem>>, vector<16xi32>,
      %mul3A_87 = arith.constant 64 : i32
      %mul3A_88 = arith.muli %scan3A_75, %mul3A_87 : i32
      %add3A_89 = arith.constant 16 : i32
      %add3A_90 = arith.addi %mul3A_88, %add3A_89 : i32
      %get3A_91 = arith.index_cast %add3A_90 : i32 to index
      %get3A_92 = tpu.vector_load %arg5[%get3A_91] {strides = array<i32>} : memref<25616xi32, #tpu.memory_space<vmem>>, vector<16xi32>,
      %get3A_93 = vector.shape_cast %get3A_92 : vector<16xi32> to vector<16xi32>
      %shift_right_logical3A_94 = arith.constant 1 : i32
      %shift_right_logical3A_95 = vector.broadcast %shift_right_logical3A_94 : i32 to vector<16xi32>
      %shift_right_logical3A_96 = arith.shrui %get3A_93, %shift_right_logical3A_95 : vector<16xi32>
      %swap3A_97 = arith.index_cast %add3A_90 : i32 to index
      %swap3A_98 = tpu.vector_load %arg6[%swap3A_97] {strides = array<i32>} : memref<25600xi32, #tpu.memory_space<vmem>>, vector<16xi32>,
      %swap3A_99 = vector.shape_cast %swap3A_98 : vector<16xi32> to vector<16xi32>
      %swap3A_100 = vector.shape_cast %shift_right_logical3A_96 : vector<16xi32> to vector<16xi32>
      tpu.vector_store %arg6[%swap3A_97], %swap3A_100 {strides = array<i32>} : memref<25600xi32, #tpu.memory_space<vmem>>, vector<16xi32>,
      %mul3A_101 = arith.constant 64 : i32
      %mul3A_102 = arith.muli %scan3A_75, %mul3A_101 : i32
      %add3A_103 = arith.constant 32 : i32
      %add3A_104 = arith.addi %mul3A_102, %add3A_103 : i32
      %get3A_105 = arith.index_cast %add3A_104 : i32 to index
      %get3A_106 = tpu.vector_load %arg5[%get3A_105] {strides = array<i32>} : memref<25616xi32, #tpu.memory_space<vmem>>, vector<16xi32>,
      %get3A_107 = vector.shape_cast %get3A_106 : vector<16xi32> to vector<16xi32>
      %shift_right_logical3A_108 = arith.constant 1 : i32
      %shift_right_logical3A_109 = vector.broadcast %shift_right_logical3A_108 : i32 to vector<16xi32>
      %shift_right_logical3A_110 = arith.shrui %get3A_107, %shift_right_logical3A_109 : vector<16xi32>
      %swap3A_111 = arith.index_cast %add3A_104 : i32 to index
      %swap3A_112 = tpu.vector_load %arg6[%swap3A_111] {strides = array<i32>} : memref<25600xi32, #tpu.memory_space<vmem>>, vector<16xi32>,
      %swap3A_113 = vector.shape_cast %swap3A_112 : vector<16xi32> to vector<16xi32>
      %swap3A_114 = vector.shape_cast %shift_right_logical3A_110 : vector<16xi32> to vector<16xi32>
      tpu.vector_store %arg6[%swap3A_111], %swap3A_114 {strides = array<i32>} : memref<25600xi32, #tpu.memory_space<vmem>>, vector<16xi32>,
      %mul3A_115 = arith.constant 64 : i32
      %mul3A_116 = arith.muli %scan3A_75, %mul3A_115 : i32
      %add3A_117 = arith.constant 48 : i32
      %add3A_118 = arith.addi %mul3A_116, %add3A_117 : i32
      %get3A_119 = arith.index_cast %add3A_118 : i32 to index
      %get3A_120 = tpu.vector_load %arg5[%get3A_119] {strides = array<i32>} : memref<25616xi32, #tpu.memory_space<vmem>>, vector<16xi32>,
      %get3A_121 = vector.shape_cast %get3A_120 : vector<16xi32> to vector<16xi32>
      %shift_right_logical3A_122 = arith.constant 1 : i32
      %shift_right_logical3A_123 = vector.broadcast %shift_right_logical3A_122 : i32 to vector<16xi32>
      %shift_right_logical3A_124 = arith.shrui %get3A_121, %shift_right_logical3A_123 : vector<16xi32>
      %swap3A_125 = arith.index_cast %add3A_118 : i32 to index
      %swap3A_126 = tpu.vector_load %arg6[%swap3A_125] {strides = array<i32>} : memref<25600xi32, #tpu.memory_space<vmem>>, vector<16xi32>,
      %swap3A_127 = vector.shape_cast %swap3A_126 : vector<16xi32> to vector<16xi32>
      %swap3A_128 = vector.shape_cast %shift_right_logical3A_124 : vector<16xi32> to vector<16xi32>
      tpu.vector_store %arg6[%swap3A_125], %swap3A_128 {strides = array<i32>} : memref<25600xi32, #tpu.memory_space<vmem>>, vector<16xi32>,
    }
    %scan3A_7 = arith.constant 400 : i32
    %dma_start3A = arith.constant 0 : i32
    %dma_start3A_8 = tpu.memref_slice %arg6[%dma_start3A] : memref<25600xi32, #tpu.memory_space<vmem>> -> memref<128xi32, #tpu.memory_space<vmem>>
    %dma_start3A_9 = arith.constant 0 : i32
    %dma_start3A_10 = arith.constant 0 : i32
    %dma_start3A_11 = tpu.memref_slice %arg2[%dma_start3A_9, %dma_start3A_10] : memref<500000x128xf32, #tpu.memory_space<hbm>> -> memref<500000x128xf32, #tpu.memory_space<hbm>>
    tpu.enqueue_indirect_dma source(%dma_start3A_11 : memref<500000x128xf32, #tpu.memory_space<hbm>>) target(%arg7 : memref<128x128xf32, #tpu.memory_space<vmem>>) offsets(%dma_start3A_8 : memref<128xi32, #tpu.memory_space<vmem>>) semaphore(%arg11 : memref<!tpu.dma_semaphore, #tpu.memory_space<semaphore_mem>>)
    %dma_start3A_12 = arith.constant 128 : i32
    %dma_start3A_13 = tpu.memref_slice %arg6[%dma_start3A_12] : memref<25600xi32, #tpu.memory_space<vmem>> -> memref<128xi32, #tpu.memory_space<vmem>>
    %dma_start3A_14 = arith.constant 0 : i32
    %dma_start3A_15 = arith.constant 0 : i32
    %dma_start3A_16 = tpu.memref_slice %arg2[%dma_start3A_14, %dma_start3A_15] : memref<500000x128xf32, #tpu.memory_space<hbm>> -> memref<500000x128xf32, #tpu.memory_space<hbm>>
    tpu.enqueue_indirect_dma source(%dma_start3A_16 : memref<500000x128xf32, #tpu.memory_space<hbm>>) target(%arg8 : memref<128x128xf32, #tpu.memory_space<vmem>>) offsets(%dma_start3A_13 : memref<128xi32, #tpu.memory_space<vmem>>) semaphore(%arg11 : memref<!tpu.dma_semaphore, #tpu.memory_space<semaphore_mem>>)
    %scan3A_17 = arith.constant 0 : i32
    %scan3A_18 = arith.constant 0 : i32
    %scan3A_19 = arith.constant 100 : i32
    %scan3A_20 = arith.addi %scan3A_18, %scan3A_19 : i32
    %scan3A_21 = arith.constant 1 : i32
    scf.for %scan3A_75 = %scan3A_18 to %scan3A_20 step %scan3A_21  : i32 {
      %mul3A_76 = arith.constant 2 : i32
      %mul3A_77 = arith.muli %mul3A_76, %scan3A_75 : i32
      %add3A_78 = arith.constant 0 : i32
      %add3A_79 = arith.addi %mul3A_77, %add3A_78 : i32
      %mul3A_80 = arith.constant 128 : i32
      %mul3A_81 = arith.muli %add3A_79, %mul3A_80 : i32
      %dma_wait3A_82 = tpu.memref_slice %arg6[%mul3A_81] : memref<25600xi32, #tpu.memory_space<vmem>> -> memref<128xi32, #tpu.memory_space<vmem>>
      %dma_wait3A_83 = arith.constant 0 : i32
      %dma_wait3A_84 = arith.constant 0 : i32
      %dma_wait3A_85 = tpu.memref_slice %arg2[%dma_wait3A_83, %dma_wait3A_84] : memref<500000x128xf32, #tpu.memory_space<hbm>> -> memref<500000x128xf32, #tpu.memory_space<hbm>>
      tpu.wait_indirect_dma semaphore(%arg11 : memref<!tpu.dma_semaphore, #tpu.memory_space<semaphore_mem>>) src(%dma_wait3A_85 : memref<500000x128xf32, #tpu.memory_space<hbm>>) dst(%arg7 : memref<128x128xf32, #tpu.memory_space<vmem>>)
      %ge3A = arith.constant 2 : i32
      %ge3A_86 = arith.cmpi sge, %add3A_79, %ge3A : i32
      %convert_element_type3A = arith.extui %ge3A_86 : i1 to i32
      %cond3A = arith.constant 0 : i32
      %cond3A_87 = arith.cmpi ne, %convert_element_type3A, %cond3A : i32
      scf.if %cond3A_87 {
        %sub3A_192 = arith.constant 2 : i32
        %sub3A_193 = arith.subi %add3A_79, %sub3A_192 : i32
        %mul3A_194 = arith.constant 128 : i32
        %mul3A_195 = arith.muli %sub3A_193, %mul3A_194 : i32
        %add3A_196 = arith.addi %mul3A_2, %mul3A_195 : i32
        %jit3A_197 = arith.constant 2 : i32
        %div3A_198 = arith.divsi %add3A_196, %jit3A_197 : i32
        %sign3A_199 = arith.constant 0 : i32
        %sign3A_200 = arith.cmpi sgt, %add3A_196, %sign3A_199 : i32
        %sign3A_201 = arith.extui %sign3A_200 : i1 to i32
        %sign3A_202 = arith.constant 0 : i32
        %sign3A_203 = arith.cmpi slt, %add3A_196, %sign3A_202 : i32
        %sign3A_204 = arith.extui %sign3A_203 : i1 to i32
        %sign3A_205 = arith.subi %sign3A_201, %sign3A_204 : i32
        %sign3A_206 = arith.constant 0 : i32
        %sign3A_207 = arith.cmpi sgt, %jit3A_197, %sign3A_206 : i32
        %sign3A_208 = arith.extui %sign3A_207 : i1 to i32
        %sign3A_209 = arith.constant 0 : i32
        %sign3A_210 = arith.cmpi slt, %jit3A_197, %sign3A_209 : i32
        %sign3A_211 = arith.extui %sign3A_210 : i1 to i32
        %sign3A_212 = arith.subi %sign3A_208, %sign3A_211 : i32
        %ne3A_213 = arith.cmpi ne, %sign3A_205, %sign3A_212 : i32
        %rem3A_214 = arith.remsi %add3A_196, %jit3A_197 : i32
        %ne3A_215 = arith.constant 0 : i32
        %ne3A_216 = arith.cmpi ne, %rem3A_214, %ne3A_215 : i32
        %and3A_217 = arith.andi %ne3A_213, %ne3A_216 : i1
        %sub3A_218 = arith.constant 1 : i32
        %sub3A_219 = arith.subi %div3A_198, %sub3A_218 : i32
        %select_n3A_220 = arith.select %and3A_217, %sub3A_219, %div3A_198 : i32
        %multiple_of3A_221 = tpu.assume_multiple %select_n3A_220, 8 : i32
        %dma_wait3A_222 = arith.constant 0 : i32
        %dma_wait3A_223 = tpu.memref_slice %arg4[%multiple_of3A_221, %dma_wait3A_222] : memref<409600x128xf32, #tpu.memory_space<hbm>> -> memref<64x128xf32, #tpu.memory_space<hbm>>
        %dma_wait3A_224 = arith.constant 0 : i32
        %dma_wait3A_225 = tpu.memref_slice %arg4[%multiple_of3A_221, %dma_wait3A_224] : memref<409600x128xf32, #tpu.memory_space<hbm>> -> memref<64x128xf32, #tpu.memory_space<hbm>>
        tpu.wait_dma2 semaphore(%arg12 : memref<!tpu.dma_semaphore, #tpu.memory_space<semaphore_mem>>) src(%arg9 : memref<64x128xf32, #tpu.memory_space<vmem>>) dst(%dma_wait3A_225 : memref<64x128xf32, #tpu.memory_space<hbm>>)
      } else {
      }
      %scan3A_88 = arith.constant 0 : i32
      %scan3A_89 = arith.constant 0 : i32
      %scan3A_90 = arith.constant 128 : i32
      %scan3A_91 = arith.addi %scan3A_89, %scan3A_90 : i32
      %scan3A_92 = arith.constant 1 : i32
      scf.for %scan3A_192 = %scan3A_89 to %scan3A_91 step %scan3A_92  : i32 {
        %mul3A_193 = arith.constant 128 : i32
        %mul3A_194 = arith.muli %add3A_79, %mul3A_193 : i32
        %add3A_195 = arith.addi %mul3A_194, %scan3A_192 : i32
        %get3A = arith.index_cast %add3A_195 : i32 to index
        %get3A_196 = tpu.vector_load %arg5[%get3A] {strides = array<i32>} : memref<25616xi32, #tpu.memory_space<vmem>>, vector<16xi32>,
        %get3A_197 = vector.shape_cast %get3A_196 : vector<16xi32> to vector<16xi32>
        %slice3A = vector.extract_strided_slice %get3A_197 {offsets = [0], sizes = [1], strides = [1]} : vector<16xi32> to vector<1xi32>
        %squeeze3A = vector.extract %slice3A[0] : i32 from vector<1xi32>
        %and3A_198 = arith.constant 1 : i32
        %and3A_199 = arith.andi %squeeze3A, %and3A_198 : i32
        %mul3A_200 = arith.constant 64 : i32
        %mul3A_201 = arith.muli %and3A_199, %mul3A_200 : i32
        %add3A_202 = arith.constant 0 : i32
        %add3A_203 = arith.addi %mul3A_201, %add3A_202 : i32
        %get3A_204 = arith.index_cast %scan3A_192 : i32 to index
        %get3A_205 = arith.index_cast %add3A_203 : i32 to index
        %get3A_206 = tpu.vector_load %arg7[%get3A_204, %get3A_205] {strides = array<i32>} : memref<128x128xf32, #tpu.memory_space<vmem>>, vector<1x16xf32>,
        %get3A_207 = vector.shape_cast %get3A_206 : vector<1x16xf32> to vector<16xf32>
        %jit3A_208 = arith.constant 2 : i32
        %div3A_209 = arith.divsi %scan3A_192, %jit3A_208 : i32
        %sign3A_210 = arith.constant 0 : i32
        %sign3A_211 = arith.cmpi sgt, %scan3A_192, %sign3A_210 : i32
        %sign3A_212 = arith.extui %sign3A_211 : i1 to i32
        %sign3A_213 = arith.constant 0 : i32
        %sign3A_214 = arith.cmpi slt, %scan3A_192, %sign3A_213 : i32
        %sign3A_215 = arith.extui %sign3A_214 : i1 to i32
        %sign3A_216 = arith.subi %sign3A_212, %sign3A_215 : i32
        %sign3A_217 = arith.constant 0 : i32
        %sign3A_218 = arith.cmpi sgt, %jit3A_208, %sign3A_217 : i32
        %sign3A_219 = arith.extui %sign3A_218 : i1 to i32
        %sign3A_220 = arith.constant 0 : i32
        %sign3A_221 = arith.cmpi slt, %jit3A_208, %sign3A_220 : i32
        %sign3A_222 = arith.extui %sign3A_221 : i1 to i32
        %sign3A_223 = arith.subi %sign3A_219, %sign3A_222 : i32
        %ne3A_224 = arith.cmpi ne, %sign3A_216, %sign3A_223 : i32
        %rem3A_225 = arith.remsi %scan3A_192, %jit3A_208 : i32
        %ne3A_226 = arith.constant 0 : i32
        %ne3A_227 = arith.cmpi ne, %rem3A_225, %ne3A_226 : i32
        %and3A_228 = arith.andi %ne3A_224, %ne3A_227 : i1
        %sub3A_229 = arith.constant 1 : i32
        %sub3A_230 = arith.subi %div3A_209, %sub3A_229 : i32
        %select_n3A_231 = arith.select %and3A_228, %sub3A_230, %div3A_209 : i32
        %jit3A_232 = arith.constant 2 : i32
        %eq3A = arith.constant 0 : i32
        %eq3A_233 = arith.cmpi eq, %jit3A_232, %eq3A : i32
        %jit3A_234 = arith.constant 1 : i32
        %select_n3A_235 = arith.select %eq3A_233, %jit3A_234, %jit3A_232 : i32
        %rem3A_236 = arith.remsi %scan3A_192, %select_n3A_235 : i32
        %ne3A_237 = arith.constant 0 : i32
        %ne3A_238 = arith.cmpi ne, %rem3A_236, %ne3A_237 : i32
        %lt3A_239 = arith.constant 0 : i32
        %lt3A_240 = arith.cmpi slt, %rem3A_236, %lt3A_239 : i32
        %lt3A_241 = arith.constant 0 : i32
        %lt3A_242 = arith.cmpi slt, %select_n3A_235, %lt3A_241 : i32
        %ne3A_243 = arith.xori %lt3A_240, %lt3A_242 : i1
        %and3A_244 = arith.andi %ne3A_243, %ne3A_238 : i1
        %add3A_245 = arith.addi %rem3A_236, %select_n3A_235 : i32
        %select_n3A_246 = arith.select %and3A_244, %add3A_245, %rem3A_236 : i32
        %mul3A_247 = arith.constant 64 : i32
        %mul3A_248 = arith.muli %select_n3A_246, %mul3A_247 : i32
        %add3A_249 = arith.constant 0 : i32
        %add3A_250 = arith.addi %mul3A_248, %add3A_249 : i32
        %swap3A = arith.index_cast %select_n3A_231 : i32 to index
        %swap3A_251 = arith.index_cast %add3A_250 : i32 to index
        %swap3A_252 = tpu.vector_load %arg9[%swap3A, %swap3A_251] {strides = array<i32>} : memref<64x128xf32, #tpu.memory_space<vmem>>, vector<1x16xf32>,
        %swap3A_253 = vector.shape_cast %swap3A_252 : vector<1x16xf32> to vector<16xf32>
        %swap3A_254 = vector.shape_cast %get3A_207 : vector<16xf32> to vector<1x16xf32>
        tpu.vector_store %arg9[%swap3A, %swap3A_251], %swap3A_254 {strides = array<i32>} : memref<64x128xf32, #tpu.memory_space<vmem>>, vector<1x16xf32>,
        %add3A_255 = arith.constant 16 : i32
        %add3A_256 = arith.addi %mul3A_201, %add3A_255 : i32
        %get3A_257 = arith.index_cast %scan3A_192 : i32 to index
        %get3A_258 = arith.index_cast %add3A_256 : i32 to index
        %get3A_259 = tpu.vector_load %arg7[%get3A_257, %get3A_258] {strides = array<i32>} : memref<128x128xf32, #tpu.memory_space<vmem>>, vector<1x16xf32>,
        %get3A_260 = vector.shape_cast %get3A_259 : vector<1x16xf32> to vector<16xf32>
        %jit3A_261 = arith.constant 2 : i32
        %div3A_262 = arith.divsi %scan3A_192, %jit3A_261 : i32
        %sign3A_263 = arith.constant 0 : i32
        %sign3A_264 = arith.cmpi sgt, %scan3A_192, %sign3A_263 : i32
        %sign3A_265 = arith.extui %sign3A_264 : i1 to i32
        %sign3A_266 = arith.constant 0 : i32
        %sign3A_267 = arith.cmpi slt, %scan3A_192, %sign3A_266 : i32
        %sign3A_268 = arith.extui %sign3A_267 : i1 to i32
        %sign3A_269 = arith.subi %sign3A_265, %sign3A_268 : i32
        %sign3A_270 = arith.constant 0 : i32
        %sign3A_271 = arith.cmpi sgt, %jit3A_261, %sign3A_270 : i32
        %sign3A_272 = arith.extui %sign3A_271 : i1 to i32
        %sign3A_273 = arith.constant 0 : i32
        %sign3A_274 = arith.cmpi slt, %jit3A_261, %sign3A_273 : i32
        %sign3A_275 = arith.extui %sign3A_274 : i1 to i32
        %sign3A_276 = arith.subi %sign3A_272, %sign3A_275 : i32
        %ne3A_277 = arith.cmpi ne, %sign3A_269, %sign3A_276 : i32
        %rem3A_278 = arith.remsi %scan3A_192, %jit3A_261 : i32
        %ne3A_279 = arith.constant 0 : i32
        %ne3A_280 = arith.cmpi ne, %rem3A_278, %ne3A_279 : i32
        %and3A_281 = arith.andi %ne3A_277, %ne3A_280 : i1
        %sub3A_282 = arith.constant 1 : i32
        %sub3A_283 = arith.subi %div3A_262, %sub3A_282 : i32
        %select_n3A_284 = arith.select %and3A_281, %sub3A_283, %div3A_262 : i32
        %jit3A_285 = arith.constant 2 : i32
        %eq3A_286 = arith.constant 0 : i32
        %eq3A_287 = arith.cmpi eq, %jit3A_285, %eq3A_286 : i32
        %jit3A_288 = arith.constant 1 : i32
        %select_n3A_289 = arith.select %eq3A_287, %jit3A_288, %jit3A_285 : i32
        %rem3A_290 = arith.remsi %scan3A_192, %select_n3A_289 : i32
        %ne3A_291 = arith.constant 0 : i32
        %ne3A_292 = arith.cmpi ne, %rem3A_290, %ne3A_291 : i32
        %lt3A_293 = arith.constant 0 : i32
        %lt3A_294 = arith.cmpi slt, %rem3A_290, %lt3A_293 : i32
        %lt3A_295 = arith.constant 0 : i32
        %lt3A_296 = arith.cmpi slt, %select_n3A_289, %lt3A_295 : i32
        %ne3A_297 = arith.xori %lt3A_294, %lt3A_296 : i1
        %and3A_298 = arith.andi %ne3A_297, %ne3A_292 : i1
        %add3A_299 = arith.addi %rem3A_290, %select_n3A_289 : i32
        %select_n3A_300 = arith.select %and3A_298, %add3A_299, %rem3A_290 : i32
        %mul3A_301 = arith.constant 64 : i32
        %mul3A_302 = arith.muli %select_n3A_300, %mul3A_301 : i32
        %add3A_303 = arith.constant 16 : i32
        %add3A_304 = arith.addi %mul3A_302, %add3A_303 : i32
        %swap3A_305 = arith.index_cast %select_n3A_284 : i32 to index
        %swap3A_306 = arith.index_cast %add3A_304 : i32 to index
        %swap3A_307 = tpu.vector_load %arg9[%swap3A_305, %swap3A_306] {strides = array<i32>} : memref<64x128xf32, #tpu.memory_space<vmem>>, vector<1x16xf32>,
        %swap3A_308 = vector.shape_cast %swap3A_307 : vector<1x16xf32> to vector<16xf32>
        %swap3A_309 = vector.shape_cast %get3A_260 : vector<16xf32> to vector<1x16xf32>
        tpu.vector_store %arg9[%swap3A_305, %swap3A_306], %swap3A_309 {strides = array<i32>} : memref<64x128xf32, #tpu.memory_space<vmem>>, vector<1x16xf32>,
        %add3A_310 = arith.constant 32 : i32
        %add3A_311 = arith.addi %mul3A_201, %add3A_310 : i32
        %get3A_312 = arith.index_cast %scan3A_192 : i32 to index
        %get3A_313 = arith.index_cast %add3A_311 : i32 to index
        %get3A_314 = tpu.vector_load %arg7[%get3A_312, %get3A_313] {strides = array<i32>} : memref<128x128xf32, #tpu.memory_space<vmem>>, vector<1x16xf32>,
        %get3A_315 = vector.shape_cast %get3A_314 : vector<1x16xf32> to vector<16xf32>
        %jit3A_316 = arith.constant 2 : i32
        %div3A_317 = arith.divsi %scan3A_192, %jit3A_316 : i32
        %sign3A_318 = arith.constant 0 : i32
        %sign3A_319 = arith.cmpi sgt, %scan3A_192, %sign3A_318 : i32
        %sign3A_320 = arith.extui %sign3A_319 : i1 to i32
        %sign3A_321 = arith.constant 0 : i32
        %sign3A_322 = arith.cmpi slt, %scan3A_192, %sign3A_321 : i32
        %sign3A_323 = arith.extui %sign3A_322 : i1 to i32
        %sign3A_324 = arith.subi %sign3A_320, %sign3A_323 : i32
        %sign3A_325 = arith.constant 0 : i32
        %sign3A_326 = arith.cmpi sgt, %jit3A_316, %sign3A_325 : i32
        %sign3A_327 = arith.extui %sign3A_326 : i1 to i32
        %sign3A_328 = arith.constant 0 : i32
        %sign3A_329 = arith.cmpi slt, %jit3A_316, %sign3A_328 : i32
        %sign3A_330 = arith.extui %sign3A_329 : i1 to i32
        %sign3A_331 = arith.subi %sign3A_327, %sign3A_330 : i32
        %ne3A_332 = arith.cmpi ne, %sign3A_324, %sign3A_331 : i32
        %rem3A_333 = arith.remsi %scan3A_192, %jit3A_316 : i32
        %ne3A_334 = arith.constant 0 : i32
        %ne3A_335 = arith.cmpi ne, %rem3A_333, %ne3A_334 : i32
        %and3A_336 = arith.andi %ne3A_332, %ne3A_335 : i1
        %sub3A_337 = arith.constant 1 : i32
        %sub3A_338 = arith.subi %div3A_317, %sub3A_337 : i32
        %select_n3A_339 = arith.select %and3A_336, %sub3A_338, %div3A_317 : i32
        %jit3A_340 = arith.constant 2 : i32
        %eq3A_341 = arith.constant 0 : i32
        %eq3A_342 = arith.cmpi eq, %jit3A_340, %eq3A_341 : i32
        %jit3A_343 = arith.constant 1 : i32
        %select_n3A_344 = arith.select %eq3A_342, %jit3A_343, %jit3A_340 : i32
        %rem3A_345 = arith.remsi %scan3A_192, %select_n3A_344 : i32
        %ne3A_346 = arith.constant 0 : i32
        %ne3A_347 = arith.cmpi ne, %rem3A_345, %ne3A_346 : i32
        %lt3A_348 = arith.constant 0 : i32
        %lt3A_349 = arith.cmpi slt, %rem3A_345, %lt3A_348 : i32
        %lt3A_350 = arith.constant 0 : i32
        %lt3A_351 = arith.cmpi slt, %select_n3A_344, %lt3A_350 : i32
        %ne3A_352 = arith.xori %lt3A_349, %lt3A_351 : i1
        %and3A_353 = arith.andi %ne3A_352, %ne3A_347 : i1
        %add3A_354 = arith.addi %rem3A_345, %select_n3A_344 : i32
        %select_n3A_355 = arith.select %and3A_353, %add3A_354, %rem3A_345 : i32
        %mul3A_356 = arith.constant 64 : i32
        %mul3A_357 = arith.muli %select_n3A_355, %mul3A_356 : i32
        %add3A_358 = arith.constant 32 : i32
        %add3A_359 = arith.addi %mul3A_357, %add3A_358 : i32
        %swap3A_360 = arith.index_cast %select_n3A_339 : i32 to index
        %swap3A_361 = arith.index_cast %add3A_359 : i32 to index
        %swap3A_362 = tpu.vector_load %arg9[%swap3A_360, %swap3A_361] {strides = array<i32>} : memref<64x128xf32, #tpu.memory_space<vmem>>, vector<1x16xf32>,
        %swap3A_363 = vector.shape_cast %swap3A_362 : vector<1x16xf32> to vector<16xf32>
        %swap3A_364 = vector.shape_cast %get3A_315 : vector<16xf32> to vector<1x16xf32>
        tpu.vector_store %arg9[%swap3A_360, %swap3A_361], %swap3A_364 {strides = array<i32>} : memref<64x128xf32, #tpu.memory_space<vmem>>, vector<1x16xf32>,
        %add3A_365 = arith.constant 48 : i32
        %add3A_366 = arith.addi %mul3A_201, %add3A_365 : i32
        %get3A_367 = arith.index_cast %scan3A_192 : i32 to index
        %get3A_368 = arith.index_cast %add3A_366 : i32 to index
        %get3A_369 = tpu.vector_load %arg7[%get3A_367, %get3A_368] {strides = array<i32>} : memref<128x128xf32, #tpu.memory_space<vmem>>, vector<1x16xf32>,
        %get3A_370 = vector.shape_cast %get3A_369 : vector<1x16xf32> to vector<16xf32>
        %jit3A_371 = arith.constant 2 : i32
        %div3A_372 = arith.divsi %scan3A_192, %jit3A_371 : i32
        %sign3A_373 = arith.constant 0 : i32
        %sign3A_374 = arith.cmpi sgt, %scan3A_192, %sign3A_373 : i32
        %sign3A_375 = arith.extui %sign3A_374 : i1 to i32
        %sign3A_376 = arith.constant 0 : i32
        %sign3A_377 = arith.cmpi slt, %scan3A_192, %sign3A_376 : i32
        %sign3A_378 = arith.extui %sign3A_377 : i1 to i32
        %sign3A_379 = arith.subi %sign3A_375, %sign3A_378 : i32
        %sign3A_380 = arith.constant 0 : i32
        %sign3A_381 = arith.cmpi sgt, %jit3A_371, %sign3A_380 : i32
        %sign3A_382 = arith.extui %sign3A_381 : i1 to i32
        %sign3A_383 = arith.constant 0 : i32
        %sign3A_384 = arith.cmpi slt, %jit3A_371, %sign3A_383 : i32
        %sign3A_385 = arith.extui %sign3A_384 : i1 to i32
        %sign3A_386 = arith.subi %sign3A_382, %sign3A_385 : i32
        %ne3A_387 = arith.cmpi ne, %sign3A_379, %sign3A_386 : i32
        %rem3A_388 = arith.remsi %scan3A_192, %jit3A_371 : i32
        %ne3A_389 = arith.constant 0 : i32
        %ne3A_390 = arith.cmpi ne, %rem3A_388, %ne3A_389 : i32
        %and3A_391 = arith.andi %ne3A_387, %ne3A_390 : i1
        %sub3A_392 = arith.constant 1 : i32
        %sub3A_393 = arith.subi %div3A_372, %sub3A_392 : i32
        %select_n3A_394 = arith.select %and3A_391, %sub3A_393, %div3A_372 : i32
        %jit3A_395 = arith.constant 2 : i32
        %eq3A_396 = arith.constant 0 : i32
        %eq3A_397 = arith.cmpi eq, %jit3A_395, %eq3A_396 : i32
        %jit3A_398 = arith.constant 1 : i32
        %select_n3A_399 = arith.select %eq3A_397, %jit3A_398, %jit3A_395 : i32
        %rem3A_400 = arith.remsi %scan3A_192, %select_n3A_399 : i32
        %ne3A_401 = arith.constant 0 : i32
        %ne3A_402 = arith.cmpi ne, %rem3A_400, %ne3A_401 : i32
        %lt3A_403 = arith.constant 0 : i32
        %lt3A_404 = arith.cmpi slt, %rem3A_400, %lt3A_403 : i32
        %lt3A_405 = arith.constant 0 : i32
        %lt3A_406 = arith.cmpi slt, %select_n3A_399, %lt3A_405 : i32
        %ne3A_407 = arith.xori %lt3A_404, %lt3A_406 : i1
        %and3A_408 = arith.andi %ne3A_407, %ne3A_402 : i1
        %add3A_409 = arith.addi %rem3A_400, %select_n3A_399 : i32
        %select_n3A_410 = arith.select %and3A_408, %add3A_409, %rem3A_400 : i32
        %mul3A_411 = arith.constant 64 : i32
        %mul3A_412 = arith.muli %select_n3A_410, %mul3A_411 : i32
        %add3A_413 = arith.constant 48 : i32
        %add3A_414 = arith.addi %mul3A_412, %add3A_413 : i32
        %swap3A_415 = arith.index_cast %select_n3A_394 : i32 to index
        %swap3A_416 = arith.index_cast %add3A_414 : i32 to index
        %swap3A_417 = tpu.vector_load %arg9[%swap3A_415, %swap3A_416] {strides = array<i32>} : memref<64x128xf32, #tpu.memory_space<vmem>>, vector<1x16xf32>,
        %swap3A_418 = vector.shape_cast %swap3A_417 : vector<1x16xf32> to vector<16xf32>
        %swap3A_419 = vector.shape_cast %get3A_370 : vector<16xf32> to vector<1x16xf32>
        tpu.vector_store %arg9[%swap3A_415, %swap3A_416], %swap3A_419 {strides = array<i32>} : memref<64x128xf32, #tpu.memory_space<vmem>>, vector<1x16xf32>,
      }
      %scan3A_93 = arith.constant 128 : i32
      %mul3A_94 = arith.constant 128 : i32
      %mul3A_95 = arith.muli %add3A_79, %mul3A_94 : i32
      %add3A_96 = arith.addi %mul3A_2, %mul3A_95 : i32
      %jit3A_97 = arith.constant 2 : i32
      %div3A_98 = arith.divsi %add3A_96, %jit3A_97 : i32
      %sign3A_99 = arith.constant 0 : i32
      %sign3A_100 = arith.cmpi sgt, %add3A_96, %sign3A_99 : i32
      %sign3A_101 = arith.extui %sign3A_100 : i1 to i32
      %sign3A_102 = arith.constant 0 : i32
      %sign3A_103 = arith.cmpi slt, %add3A_96, %sign3A_102 : i32
      %sign3A_104 = arith.extui %sign3A_103 : i1 to i32
      %sign3A_105 = arith.subi %sign3A_101, %sign3A_104 : i32
      %sign3A_106 = arith.constant 0 : i32
      %sign3A_107 = arith.cmpi sgt, %jit3A_97, %sign3A_106 : i32
      %sign3A_108 = arith.extui %sign3A_107 : i1 to i32
      %sign3A_109 = arith.constant 0 : i32
      %sign3A_110 = arith.cmpi slt, %jit3A_97, %sign3A_109 : i32
      %sign3A_111 = arith.extui %sign3A_110 : i1 to i32
      %sign3A_112 = arith.subi %sign3A_108, %sign3A_111 : i32
      %ne3A_113 = arith.cmpi ne, %sign3A_105, %sign3A_112 : i32
      %rem3A_114 = arith.remsi %add3A_96, %jit3A_97 : i32
      %ne3A_115 = arith.constant 0 : i32
      %ne3A_116 = arith.cmpi ne, %rem3A_114, %ne3A_115 : i32
      %and3A_117 = arith.andi %ne3A_113, %ne3A_116 : i1
      %sub3A_118 = arith.constant 1 : i32
      %sub3A_119 = arith.subi %div3A_98, %sub3A_118 : i32
      %select_n3A_120 = arith.select %and3A_117, %sub3A_119, %div3A_98 : i32
      %multiple_of3A_121 = tpu.assume_multiple %select_n3A_120, 8 : i32
      %dma_start3A_122 = arith.constant 0 : i32
      %dma_start3A_123 = tpu.memref_slice %arg4[%multiple_of3A_121, %dma_start3A_122] : memref<409600x128xf32, #tpu.memory_space<hbm>> -> memref<64x128xf32, #tpu.memory_space<hbm>>
      %dma_start3A_124 = arith.constant 0 : i32
      %dma_start3A_125 = tpu.memref_slice %arg4[%multiple_of3A_121, %dma_start3A_124] : memref<409600x128xf32, #tpu.memory_space<hbm>> -> memref<64x128xf32, #tpu.memory_space<hbm>>
      tpu.enqueue_dma source(%arg9 : memref<64x128xf32, #tpu.memory_space<vmem>>) target(%dma_start3A_125 : memref<64x128xf32, #tpu.memory_space<hbm>>) target_semaphore(%arg12 : memref<!tpu.dma_semaphore, #tpu.memory_space<semaphore_mem>>)
      %add3A_126 = arith.constant 2 : i32
      %add3A_127 = arith.addi %add3A_79, %add3A_126 : i32
      %lt3A = arith.constant 200 : i32
      %lt3A_128 = arith.cmpi slt, %add3A_127, %lt3A : i32
      %convert_element_type3A_129 = arith.extui %lt3A_128 : i1 to i32
      %cond3A_130 = arith.constant 0 : i32
      %cond3A_131 = arith.cmpi ne, %convert_element_type3A_129, %cond3A_130 : i32
      scf.if %cond3A_131 {
        %add3A_192 = arith.constant 2 : i32
        %add3A_193 = arith.addi %add3A_79, %add3A_192 : i32
        %mul3A_194 = arith.constant 128 : i32
        %mul3A_195 = arith.muli %add3A_193, %mul3A_194 : i32
        %dma_start3A_196 = tpu.memref_slice %arg6[%mul3A_195] : memref<25600xi32, #tpu.memory_space<vmem>> -> memref<128xi32, #tpu.memory_space<vmem>>
        %dma_start3A_197 = arith.constant 0 : i32
        %dma_start3A_198 = arith.constant 0 : i32
        %dma_start3A_199 = tpu.memref_slice %arg2[%dma_start3A_197, %dma_start3A_198] : memref<500000x128xf32, #tpu.memory_space<hbm>> -> memref<500000x128xf32, #tpu.memory_space<hbm>>
        tpu.enqueue_indirect_dma source(%dma_start3A_199 : memref<500000x128xf32, #tpu.memory_space<hbm>>) target(%arg7 : memref<128x128xf32, #tpu.memory_space<vmem>>) offsets(%dma_start3A_196 : memref<128xi32, #tpu.memory_space<vmem>>) semaphore(%arg11 : memref<!tpu.dma_semaphore, #tpu.memory_space<semaphore_mem>>)
      } else {
      }
      %mul3A_132 = arith.constant 2 : i32
      %mul3A_133 = arith.muli %mul3A_132, %scan3A_75 : i32
      %add3A_134 = arith.constant 1 : i32
      %add3A_135 = arith.addi %mul3A_133, %add3A_134 : i32
      %mul3A_136 = arith.constant 128 : i32
      %mul3A_137 = arith.muli %add3A_135, %mul3A_136 : i32
      %dma_wait3A_138 = tpu.memref_slice %arg6[%mul3A_137] : memref<25600xi32, #tpu.memory_space<vmem>> -> memref<128xi32, #tpu.memory_space<vmem>>
      %dma_wait3A_139 = arith.constant 0 : i32
      %dma_wait3A_140 = arith.constant 0 : i32
      %dma_wait3A_141 = tpu.memref_slice %arg2[%dma_wait3A_139, %dma_wait3A_140] : memref<500000x128xf32, #tpu.memory_space<hbm>> -> memref<500000x128xf32, #tpu.memory_space<hbm>>
      tpu.wait_indirect_dma semaphore(%arg11 : memref<!tpu.dma_semaphore, #tpu.memory_space<semaphore_mem>>) src(%dma_wait3A_141 : memref<500000x128xf32, #tpu.memory_space<hbm>>) dst(%arg8 : memref<128x128xf32, #tpu.memory_space<vmem>>)
      %ge3A_142 = arith.constant 2 : i32
      %ge3A_143 = arith.cmpi sge, %add3A_135, %ge3A_142 : i32
      %convert_element_type3A_144 = arith.extui %ge3A_143 : i1 to i32
      %cond3A_145 = arith.constant 0 : i32
      %cond3A_146 = arith.cmpi ne, %convert_element_type3A_144, %cond3A_145 : i32
      scf.if %cond3A_146 {
        %sub3A_192 = arith.constant 2 : i32
        %sub3A_193 = arith.subi %add3A_135, %sub3A_192 : i32
        %mul3A_194 = arith.constant 128 : i32
        %mul3A_195 = arith.muli %sub3A_193, %mul3A_194 : i32
        %add3A_196 = arith.addi %mul3A_2, %mul3A_195 : i32
        %jit3A_197 = arith.constant 2 : i32
        %div3A_198 = arith.divsi %add3A_196, %jit3A_197 : i32
        %sign3A_199 = arith.constant 0 : i32
        %sign3A_200 = arith.cmpi sgt, %add3A_196, %sign3A_199 : i32
        %sign3A_201 = arith.extui %sign3A_200 : i1 to i32
        %sign3A_202 = arith.constant 0 : i32
        %sign3A_203 = arith.cmpi slt, %add3A_196, %sign3A_202 : i32
        %sign3A_204 = arith.extui %sign3A_203 : i1 to i32
        %sign3A_205 = arith.subi %sign3A_201, %sign3A_204 : i32
        %sign3A_206 = arith.constant 0 : i32
        %sign3A_207 = arith.cmpi sgt, %jit3A_197, %sign3A_206 : i32
        %sign3A_208 = arith.extui %sign3A_207 : i1 to i32
        %sign3A_209 = arith.constant 0 : i32
        %sign3A_210 = arith.cmpi slt, %jit3A_197, %sign3A_209 : i32
        %sign3A_211 = arith.extui %sign3A_210 : i1 to i32
        %sign3A_212 = arith.subi %sign3A_208, %sign3A_211 : i32
        %ne3A_213 = arith.cmpi ne, %sign3A_205, %sign3A_212 : i32
        %rem3A_214 = arith.remsi %add3A_196, %jit3A_197 : i32
        %ne3A_215 = arith.constant 0 : i32
        %ne3A_216 = arith.cmpi ne, %rem3A_214, %ne3A_215 : i32
        %and3A_217 = arith.andi %ne3A_213, %ne3A_216 : i1
        %sub3A_218 = arith.constant 1 : i32
        %sub3A_219 = arith.subi %div3A_198, %sub3A_218 : i32
        %select_n3A_220 = arith.select %and3A_217, %sub3A_219, %div3A_198 : i32
        %multiple_of3A_221 = tpu.assume_multiple %select_n3A_220, 8 : i32
        %dma_wait3A_222 = arith.constant 0 : i32
        %dma_wait3A_223 = tpu.memref_slice %arg4[%multiple_of3A_221, %dma_wait3A_222] : memref<409600x128xf32, #tpu.memory_space<hbm>> -> memref<64x128xf32, #tpu.memory_space<hbm>>
        %dma_wait3A_224 = arith.constant 0 : i32
        %dma_wait3A_225 = tpu.memref_slice %arg4[%multiple_of3A_221, %dma_wait3A_224] : memref<409600x128xf32, #tpu.memory_space<hbm>> -> memref<64x128xf32, #tpu.memory_space<hbm>>
        tpu.wait_dma2 semaphore(%arg12 : memref<!tpu.dma_semaphore, #tpu.memory_space<semaphore_mem>>) src(%arg10 : memref<64x128xf32, #tpu.memory_space<vmem>>) dst(%dma_wait3A_225 : memref<64x128xf32, #tpu.memory_space<hbm>>)
      } else {
      }
      %scan3A_147 = arith.constant 0 : i32
      %scan3A_148 = arith.constant 0 : i32
      %scan3A_149 = arith.constant 128 : i32
      %scan3A_150 = arith.addi %scan3A_148, %scan3A_149 : i32
      %scan3A_151 = arith.constant 1 : i32
      scf.for %scan3A_192 = %scan3A_148 to %scan3A_150 step %scan3A_151  : i32 {
        %mul3A_193 = arith.constant 128 : i32
        %mul3A_194 = arith.muli %add3A_135, %mul3A_193 : i32
        %add3A_195 = arith.addi %mul3A_194, %scan3A_192 : i32
        %get3A = arith.index_cast %add3A_195 : i32 to index
        %get3A_196 = tpu.vector_load %arg5[%get3A] {strides = array<i32>} : memref<25616xi32, #tpu.memory_space<vmem>>, vector<16xi32>,
        %get3A_197 = vector.shape_cast %get3A_196 : vector<16xi32> to vector<16xi32>
        %slice3A = vector.extract_strided_slice %get3A_197 {offsets = [0], sizes = [1], strides = [1]} : vector<16xi32> to vector<1xi32>
        %squeeze3A = vector.extract %slice3A[0] : i32 from vector<1xi32>
        %and3A_198 = arith.constant 1 : i32
        %and3A_199 = arith.andi %squeeze3A, %and3A_198 : i32
        %mul3A_200 = arith.constant 64 : i32
        %mul3A_201 = arith.muli %and3A_199, %mul3A_200 : i32
        %add3A_202 = arith.constant 0 : i32
        %add3A_203 = arith.addi %mul3A_201, %add3A_202 : i32
        %get3A_204 = arith.index_cast %scan3A_192 : i32 to index
        %get3A_205 = arith.index_cast %add3A_203 : i32 to index
        %get3A_206 = tpu.vector_load %arg8[%get3A_204, %get3A_205] {strides = array<i32>} : memref<128x128xf32, #tpu.memory_space<vmem>>, vector<1x16xf32>,
        %get3A_207 = vector.shape_cast %get3A_206 : vector<1x16xf32> to vector<16xf32>
        %jit3A_208 = arith.constant 2 : i32
        %div3A_209 = arith.divsi %scan3A_192, %jit3A_208 : i32
        %sign3A_210 = arith.constant 0 : i32
        %sign3A_211 = arith.cmpi sgt, %scan3A_192, %sign3A_210 : i32
        %sign3A_212 = arith.extui %sign3A_211 : i1 to i32
        %sign3A_213 = arith.constant 0 : i32
        %sign3A_214 = arith.cmpi slt, %scan3A_192, %sign3A_213 : i32
        %sign3A_215 = arith.extui %sign3A_214 : i1 to i32
        %sign3A_216 = arith.subi %sign3A_212, %sign3A_215 : i32
        %sign3A_217 = arith.constant 0 : i32
        %sign3A_218 = arith.cmpi sgt, %jit3A_208, %sign3A_217 : i32
        %sign3A_219 = arith.extui %sign3A_218 : i1 to i32
        %sign3A_220 = arith.constant 0 : i32
        %sign3A_221 = arith.cmpi slt, %jit3A_208, %sign3A_220 : i32
        %sign3A_222 = arith.extui %sign3A_221 : i1 to i32
        %sign3A_223 = arith.subi %sign3A_219, %sign3A_222 : i32
        %ne3A_224 = arith.cmpi ne, %sign3A_216, %sign3A_223 : i32
        %rem3A_225 = arith.remsi %scan3A_192, %jit3A_208 : i32
        %ne3A_226 = arith.constant 0 : i32
        %ne3A_227 = arith.cmpi ne, %rem3A_225, %ne3A_226 : i32
        %and3A_228 = arith.andi %ne3A_224, %ne3A_227 : i1
        %sub3A_229 = arith.constant 1 : i32
        %sub3A_230 = arith.subi %div3A_209, %sub3A_229 : i32
        %select_n3A_231 = arith.select %and3A_228, %sub3A_230, %div3A_209 : i32
        %jit3A_232 = arith.constant 2 : i32
        %eq3A = arith.constant 0 : i32
        %eq3A_233 = arith.cmpi eq, %jit3A_232, %eq3A : i32
        %jit3A_234 = arith.constant 1 : i32
        %select_n3A_235 = arith.select %eq3A_233, %jit3A_234, %jit3A_232 : i32
        %rem3A_236 = arith.remsi %scan3A_192, %select_n3A_235 : i32
        %ne3A_237 = arith.constant 0 : i32
        %ne3A_238 = arith.cmpi ne, %rem3A_236, %ne3A_237 : i32
        %lt3A_239 = arith.constant 0 : i32
        %lt3A_240 = arith.cmpi slt, %rem3A_236, %lt3A_239 : i32
        %lt3A_241 = arith.constant 0 : i32
        %lt3A_242 = arith.cmpi slt, %select_n3A_235, %lt3A_241 : i32
        %ne3A_243 = arith.xori %lt3A_240, %lt3A_242 : i1
        %and3A_244 = arith.andi %ne3A_243, %ne3A_238 : i1
        %add3A_245 = arith.addi %rem3A_236, %select_n3A_235 : i32
        %select_n3A_246 = arith.select %and3A_244, %add3A_245, %rem3A_236 : i32
        %mul3A_247 = arith.constant 64 : i32
        %mul3A_248 = arith.muli %select_n3A_246, %mul3A_247 : i32
        %add3A_249 = arith.constant 0 : i32
        %add3A_250 = arith.addi %mul3A_248, %add3A_249 : i32
        %swap3A = arith.index_cast %select_n3A_231 : i32 to index
        %swap3A_251 = arith.index_cast %add3A_250 : i32 to index
        %swap3A_252 = tpu.vector_load %arg10[%swap3A, %swap3A_251] {strides = array<i32>} : memref<64x128xf32, #tpu.memory_space<vmem>>, vector<1x16xf32>,
        %swap3A_253 = vector.shape_cast %swap3A_252 : vector<1x16xf32> to vector<16xf32>
        %swap3A_254 = vector.shape_cast %get3A_207 : vector<16xf32> to vector<1x16xf32>
        tpu.vector_store %arg10[%swap3A, %swap3A_251], %swap3A_254 {strides = array<i32>} : memref<64x128xf32, #tpu.memory_space<vmem>>, vector<1x16xf32>,
        %add3A_255 = arith.constant 16 : i32
        %add3A_256 = arith.addi %mul3A_201, %add3A_255 : i32
        %get3A_257 = arith.index_cast %scan3A_192 : i32 to index
        %get3A_258 = arith.index_cast %add3A_256 : i32 to index
        %get3A_259 = tpu.vector_load %arg8[%get3A_257, %get3A_258] {strides = array<i32>} : memref<128x128xf32, #tpu.memory_space<vmem>>, vector<1x16xf32>,
        %get3A_260 = vector.shape_cast %get3A_259 : vector<1x16xf32> to vector<16xf32>
        %jit3A_261 = arith.constant 2 : i32
        %div3A_262 = arith.divsi %scan3A_192, %jit3A_261 : i32
        %sign3A_263 = arith.constant 0 : i32
        %sign3A_264 = arith.cmpi sgt, %scan3A_192, %sign3A_263 : i32
        %sign3A_265 = arith.extui %sign3A_264 : i1 to i32
        %sign3A_266 = arith.constant 0 : i32
        %sign3A_267 = arith.cmpi slt, %scan3A_192, %sign3A_266 : i32
        %sign3A_268 = arith.extui %sign3A_267 : i1 to i32
        %sign3A_269 = arith.subi %sign3A_265, %sign3A_268 : i32
        %sign3A_270 = arith.constant 0 : i32
        %sign3A_271 = arith.cmpi sgt, %jit3A_261, %sign3A_270 : i32
        %sign3A_272 = arith.extui %sign3A_271 : i1 to i32
        %sign3A_273 = arith.constant 0 : i32
        %sign3A_274 = arith.cmpi slt, %jit3A_261, %sign3A_273 : i32
        %sign3A_275 = arith.extui %sign3A_274 : i1 to i32
        %sign3A_276 = arith.subi %sign3A_272, %sign3A_275 : i32
        %ne3A_277 = arith.cmpi ne, %sign3A_269, %sign3A_276 : i32
        %rem3A_278 = arith.remsi %scan3A_192, %jit3A_261 : i32
        %ne3A_279 = arith.constant 0 : i32
        %ne3A_280 = arith.cmpi ne, %rem3A_278, %ne3A_279 : i32
        %and3A_281 = arith.andi %ne3A_277, %ne3A_280 : i1
        %sub3A_282 = arith.constant 1 : i32
        %sub3A_283 = arith.subi %div3A_262, %sub3A_282 : i32
        %select_n3A_284 = arith.select %and3A_281, %sub3A_283, %div3A_262 : i32
        %jit3A_285 = arith.constant 2 : i32
        %eq3A_286 = arith.constant 0 : i32
        %eq3A_287 = arith.cmpi eq, %jit3A_285, %eq3A_286 : i32
        %jit3A_288 = arith.constant 1 : i32
        %select_n3A_289 = arith.select %eq3A_287, %jit3A_288, %jit3A_285 : i32
        %rem3A_290 = arith.remsi %scan3A_192, %select_n3A_289 : i32
        %ne3A_291 = arith.constant 0 : i32
        %ne3A_292 = arith.cmpi ne, %rem3A_290, %ne3A_291 : i32
        %lt3A_293 = arith.constant 0 : i32
        %lt3A_294 = arith.cmpi slt, %rem3A_290, %lt3A_293 : i32
        %lt3A_295 = arith.constant 0 : i32
        %lt3A_296 = arith.cmpi slt, %select_n3A_289, %lt3A_295 : i32
        %ne3A_297 = arith.xori %lt3A_294, %lt3A_296 : i1
        %and3A_298 = arith.andi %ne3A_297, %ne3A_292 : i1
        %add3A_299 = arith.addi %rem3A_290, %select_n3A_289 : i32
        %select_n3A_300 = arith.select %and3A_298, %add3A_299, %rem3A_290 : i32
        %mul3A_301 = arith.constant 64 : i32
        %mul3A_302 = arith.muli %select_n3A_300, %mul3A_301 : i32
        %add3A_303 = arith.constant 16 : i32
        %add3A_304 = arith.addi %mul3A_302, %add3A_303 : i32
        %swap3A_305 = arith.index_cast %select_n3A_284 : i32 to index
        %swap3A_306 = arith.index_cast %add3A_304 : i32 to index
        %swap3A_307 = tpu.vector_load %arg10[%swap3A_305, %swap3A_306] {strides = array<i32>} : memref<64x128xf32, #tpu.memory_space<vmem>>, vector<1x16xf32>,
        %swap3A_308 = vector.shape_cast %swap3A_307 : vector<1x16xf32> to vector<16xf32>
        %swap3A_309 = vector.shape_cast %get3A_260 : vector<16xf32> to vector<1x16xf32>
        tpu.vector_store %arg10[%swap3A_305, %swap3A_306], %swap3A_309 {strides = array<i32>} : memref<64x128xf32, #tpu.memory_space<vmem>>, vector<1x16xf32>,
        %add3A_310 = arith.constant 32 : i32
        %add3A_311 = arith.addi %mul3A_201, %add3A_310 : i32
        %get3A_312 = arith.index_cast %scan3A_192 : i32 to index
        %get3A_313 = arith.index_cast %add3A_311 : i32 to index
        %get3A_314 = tpu.vector_load %arg8[%get3A_312, %get3A_313] {strides = array<i32>} : memref<128x128xf32, #tpu.memory_space<vmem>>, vector<1x16xf32>,
        %get3A_315 = vector.shape_cast %get3A_314 : vector<1x16xf32> to vector<16xf32>
        %jit3A_316 = arith.constant 2 : i32
        %div3A_317 = arith.divsi %scan3A_192, %jit3A_316 : i32
        %sign3A_318 = arith.constant 0 : i32
        %sign3A_319 = arith.cmpi sgt, %scan3A_192, %sign3A_318 : i32
        %sign3A_320 = arith.extui %sign3A_319 : i1 to i32
        %sign3A_321 = arith.constant 0 : i32
        %sign3A_322 = arith.cmpi slt, %scan3A_192, %sign3A_321 : i32
        %sign3A_323 = arith.extui %sign3A_322 : i1 to i32
        %sign3A_324 = arith.subi %sign3A_320, %sign3A_323 : i32
        %sign3A_325 = arith.constant 0 : i32
        %sign3A_326 = arith.cmpi sgt, %jit3A_316, %sign3A_325 : i32
        %sign3A_327 = arith.extui %sign3A_326 : i1 to i32
        %sign3A_328 = arith.constant 0 : i32
        %sign3A_329 = arith.cmpi slt, %jit3A_316, %sign3A_328 : i32
        %sign3A_330 = arith.extui %sign3A_329 : i1 to i32
        %sign3A_331 = arith.subi %sign3A_327, %sign3A_330 : i32
        %ne3A_332 = arith.cmpi ne, %sign3A_324, %sign3A_331 : i32
        %rem3A_333 = arith.remsi %scan3A_192, %jit3A_316 : i32
        %ne3A_334 = arith.constant 0 : i32
        %ne3A_335 = arith.cmpi ne, %rem3A_333, %ne3A_334 : i32
        %and3A_336 = arith.andi %ne3A_332, %ne3A_335 : i1
        %sub3A_337 = arith.constant 1 : i32
        %sub3A_338 = arith.subi %div3A_317, %sub3A_337 : i32
        %select_n3A_339 = arith.select %and3A_336, %sub3A_338, %div3A_317 : i32
        %jit3A_340 = arith.constant 2 : i32
        %eq3A_341 = arith.constant 0 : i32
        %eq3A_342 = arith.cmpi eq, %jit3A_340, %eq3A_341 : i32
        %jit3A_343 = arith.constant 1 : i32
        %select_n3A_344 = arith.select %eq3A_342, %jit3A_343, %jit3A_340 : i32
        %rem3A_345 = arith.remsi %scan3A_192, %select_n3A_344 : i32
        %ne3A_346 = arith.constant 0 : i32
        %ne3A_347 = arith.cmpi ne, %rem3A_345, %ne3A_346 : i32
        %lt3A_348 = arith.constant 0 : i32
        %lt3A_349 = arith.cmpi slt, %rem3A_345, %lt3A_348 : i32
        %lt3A_350 = arith.constant 0 : i32
        %lt3A_351 = arith.cmpi slt, %select_n3A_344, %lt3A_350 : i32
        %ne3A_352 = arith.xori %lt3A_349, %lt3A_351 : i1
        %and3A_353 = arith.andi %ne3A_352, %ne3A_347 : i1
        %add3A_354 = arith.addi %rem3A_345, %select_n3A_344 : i32
        %select_n3A_355 = arith.select %and3A_353, %add3A_354, %rem3A_345 : i32
        %mul3A_356 = arith.constant 64 : i32
        %mul3A_357 = arith.muli %select_n3A_355, %mul3A_356 : i32
        %add3A_358 = arith.constant 32 : i32
        %add3A_359 = arith.addi %mul3A_357, %add3A_358 : i32
        %swap3A_360 = arith.index_cast %select_n3A_339 : i32 to index
        %swap3A_361 = arith.index_cast %add3A_359 : i32 to index
        %swap3A_362 = tpu.vector_load %arg10[%swap3A_360, %swap3A_361] {strides = array<i32>} : memref<64x128xf32, #tpu.memory_space<vmem>>, vector<1x16xf32>,
        %swap3A_363 = vector.shape_cast %swap3A_362 : vector<1x16xf32> to vector<16xf32>
        %swap3A_364 = vector.shape_cast %get3A_315 : vector<16xf32> to vector<1x16xf32>
        tpu.vector_store %arg10[%swap3A_360, %swap3A_361], %swap3A_364 {strides = array<i32>} : memref<64x128xf32, #tpu.memory_space<vmem>>, vector<1x16xf32>,
        %add3A_365 = arith.constant 48 : i32
        %add3A_366 = arith.addi %mul3A_201, %add3A_365 : i32
        %get3A_367 = arith.index_cast %scan3A_192 : i32 to index
        %get3A_368 = arith.index_cast %add3A_366 : i32 to index
        %get3A_369 = tpu.vector_load %arg8[%get3A_367, %get3A_368] {strides = array<i32>} : memref<128x128xf32, #tpu.memory_space<vmem>>, vector<1x16xf32>,
        %get3A_370 = vector.shape_cast %get3A_369 : vector<1x16xf32> to vector<16xf32>
        %jit3A_371 = arith.constant 2 : i32
        %div3A_372 = arith.divsi %scan3A_192, %jit3A_371 : i32
        %sign3A_373 = arith.constant 0 : i32
        %sign3A_374 = arith.cmpi sgt, %scan3A_192, %sign3A_373 : i32
        %sign3A_375 = arith.extui %sign3A_374 : i1 to i32
        %sign3A_376 = arith.constant 0 : i32
        %sign3A_377 = arith.cmpi slt, %scan3A_192, %sign3A_376 : i32
        %sign3A_378 = arith.extui %sign3A_377 : i1 to i32
        %sign3A_379 = arith.subi %sign3A_375, %sign3A_378 : i32
        %sign3A_380 = arith.constant 0 : i32
        %sign3A_381 = arith.cmpi sgt, %jit3A_371, %sign3A_380 : i32
        %sign3A_382 = arith.extui %sign3A_381 : i1 to i32
        %sign3A_383 = arith.constant 0 : i32
        %sign3A_384 = arith.cmpi slt, %jit3A_371, %sign3A_383 : i32
        %sign3A_385 = arith.extui %sign3A_384 : i1 to i32
        %sign3A_386 = arith.subi %sign3A_382, %sign3A_385 : i32
        %ne3A_387 = arith.cmpi ne, %sign3A_379, %sign3A_386 : i32
        %rem3A_388 = arith.remsi %scan3A_192, %jit3A_371 : i32
        %ne3A_389 = arith.constant 0 : i32
        %ne3A_390 = arith.cmpi ne, %rem3A_388, %ne3A_389 : i32
        %and3A_391 = arith.andi %ne3A_387, %ne3A_390 : i1
        %sub3A_392 = arith.constant 1 : i32
        %sub3A_393 = arith.subi %div3A_372, %sub3A_392 : i32
        %select_n3A_394 = arith.select %and3A_391, %sub3A_393, %div3A_372 : i32
        %jit3A_395 = arith.constant 2 : i32
        %eq3A_396 = arith.constant 0 : i32
        %eq3A_397 = arith.cmpi eq, %jit3A_395, %eq3A_396 : i32
        %jit3A_398 = arith.constant 1 : i32
        %select_n3A_399 = arith.select %eq3A_397, %jit3A_398, %jit3A_395 : i32
        %rem3A_400 = arith.remsi %scan3A_192, %select_n3A_399 : i32
        %ne3A_401 = arith.constant 0 : i32
        %ne3A_402 = arith.cmpi ne, %rem3A_400, %ne3A_401 : i32
        %lt3A_403 = arith.constant 0 : i32
        %lt3A_404 = arith.cmpi slt, %rem3A_400, %lt3A_403 : i32
        %lt3A_405 = arith.constant 0 : i32
        %lt3A_406 = arith.cmpi slt, %select_n3A_399, %lt3A_405 : i32
        %ne3A_407 = arith.xori %lt3A_404, %lt3A_406 : i1
        %and3A_408 = arith.andi %ne3A_407, %ne3A_402 : i1
        %add3A_409 = arith.addi %rem3A_400, %select_n3A_399 : i32
        %select_n3A_410 = arith.select %and3A_408, %add3A_409, %rem3A_400 : i32
        %mul3A_411 = arith.constant 64 : i32
        %mul3A_412 = arith.muli %select_n3A_410, %mul3A_411 : i32
        %add3A_413 = arith.constant 48 : i32
        %add3A_414 = arith.addi %mul3A_412, %add3A_413 : i32
        %swap3A_415 = arith.index_cast %select_n3A_394 : i32 to index
        %swap3A_416 = arith.index_cast %add3A_414 : i32 to index
        %swap3A_417 = tpu.vector_load %arg10[%swap3A_415, %swap3A_416] {strides = array<i32>} : memref<64x128xf32, #tpu.memory_space<vmem>>, vector<1x16xf32>,
        %swap3A_418 = vector.shape_cast %swap3A_417 : vector<1x16xf32> to vector<16xf32>
        %swap3A_419 = vector.shape_cast %get3A_370 : vector<16xf32> to vector<1x16xf32>
        tpu.vector_store %arg10[%swap3A_415, %swap3A_416], %swap3A_419 {strides = array<i32>} : memref<64x128xf32, #tpu.memory_space<vmem>>, vector<1x16xf32>,
      }
      %scan3A_152 = arith.constant 128 : i32
      %mul3A_153 = arith.constant 128 : i32
      %mul3A_154 = arith.muli %add3A_135, %mul3A_153 : i32
      %add3A_155 = arith.addi %mul3A_2, %mul3A_154 : i32
      %jit3A_156 = arith.constant 2 : i32
      %div3A_157 = arith.divsi %add3A_155, %jit3A_156 : i32
      %sign3A_158 = arith.constant 0 : i32
      %sign3A_159 = arith.cmpi sgt, %add3A_155, %sign3A_158 : i32
      %sign3A_160 = arith.extui %sign3A_159 : i1 to i32
      %sign3A_161 = arith.constant 0 : i32
      %sign3A_162 = arith.cmpi slt, %add3A_155, %sign3A_161 : i32
      %sign3A_163 = arith.extui %sign3A_162 : i1 to i32
      %sign3A_164 = arith.subi %sign3A_160, %sign3A_163 : i32
      %sign3A_165 = arith.constant 0 : i32
      %sign3A_166 = arith.cmpi sgt, %jit3A_156, %sign3A_165 : i32
      %sign3A_167 = arith.extui %sign3A_166 : i1 to i32
      %sign3A_168 = arith.constant 0 : i32
      %sign3A_169 = arith.cmpi slt, %jit3A_156, %sign3A_168 : i32
      %sign3A_170 = arith.extui %sign3A_169 : i1 to i32
      %sign3A_171 = arith.subi %sign3A_167, %sign3A_170 : i32
      %ne3A_172 = arith.cmpi ne, %sign3A_164, %sign3A_171 : i32
      %rem3A_173 = arith.remsi %add3A_155, %jit3A_156 : i32
      %ne3A_174 = arith.constant 0 : i32
      %ne3A_175 = arith.cmpi ne, %rem3A_173, %ne3A_174 : i32
      %and3A_176 = arith.andi %ne3A_172, %ne3A_175 : i1
      %sub3A_177 = arith.constant 1 : i32
      %sub3A_178 = arith.subi %div3A_157, %sub3A_177 : i32
      %select_n3A_179 = arith.select %and3A_176, %sub3A_178, %div3A_157 : i32
      %multiple_of3A_180 = tpu.assume_multiple %select_n3A_179, 8 : i32
      %dma_start3A_181 = arith.constant 0 : i32
      %dma_start3A_182 = tpu.memref_slice %arg4[%multiple_of3A_180, %dma_start3A_181] : memref<409600x128xf32, #tpu.memory_space<hbm>> -> memref<64x128xf32, #tpu.memory_space<hbm>>
      %dma_start3A_183 = arith.constant 0 : i32
      %dma_start3A_184 = tpu.memref_slice %arg4[%multiple_of3A_180, %dma_start3A_183] : memref<409600x128xf32, #tpu.memory_space<hbm>> -> memref<64x128xf32, #tpu.memory_space<hbm>>
      tpu.enqueue_dma source(%arg10 : memref<64x128xf32, #tpu.memory_space<vmem>>) target(%dma_start3A_184 : memref<64x128xf32, #tpu.memory_space<hbm>>) target_semaphore(%arg12 : memref<!tpu.dma_semaphore, #tpu.memory_space<semaphore_mem>>)
      %add3A_185 = arith.constant 2 : i32
      %add3A_186 = arith.addi %add3A_135, %add3A_185 : i32
      %lt3A_187 = arith.constant 200 : i32
      %lt3A_188 = arith.cmpi slt, %add3A_186, %lt3A_187 : i32
      %convert_element_type3A_189 = arith.extui %lt3A_188 : i1 to i32
      %cond3A_190 = arith.constant 0 : i32
      %cond3A_191 = arith.cmpi ne, %convert_element_type3A_189, %cond3A_190 : i32
      scf.if %cond3A_191 {
        %add3A_192 = arith.constant 2 : i32
        %add3A_193 = arith.addi %add3A_135, %add3A_192 : i32
        %mul3A_194 = arith.constant 128 : i32
        %mul3A_195 = arith.muli %add3A_193, %mul3A_194 : i32
        %dma_start3A_196 = tpu.memref_slice %arg6[%mul3A_195] : memref<25600xi32, #tpu.memory_space<vmem>> -> memref<128xi32, #tpu.memory_space<vmem>>
        %dma_start3A_197 = arith.constant 0 : i32
        %dma_start3A_198 = arith.constant 0 : i32
        %dma_start3A_199 = tpu.memref_slice %arg2[%dma_start3A_197, %dma_start3A_198] : memref<500000x128xf32, #tpu.memory_space<hbm>> -> memref<500000x128xf32, #tpu.memory_space<hbm>>
        tpu.enqueue_indirect_dma source(%dma_start3A_199 : memref<500000x128xf32, #tpu.memory_space<hbm>>) target(%arg8 : memref<128x128xf32, #tpu.memory_space<vmem>>) offsets(%dma_start3A_196 : memref<128xi32, #tpu.memory_space<vmem>>) semaphore(%arg11 : memref<!tpu.dma_semaphore, #tpu.memory_space<semaphore_mem>>)
      } else {
      }
    }
    %scan3A_22 = arith.constant 100 : i32
    %add3A_23 = arith.constant 25344 : i32
    %add3A_24 = arith.addi %mul3A_2, %add3A_23 : i32
    %jit3A = arith.constant 2 : i32
    %div3A = arith.divsi %add3A_24, %jit3A : i32
    %sign3A = arith.constant 0 : i32
    %sign3A_25 = arith.cmpi sgt, %add3A_24, %sign3A : i32
    %sign3A_26 = arith.extui %sign3A_25 : i1 to i32
    %sign3A_27 = arith.constant 0 : i32
    %sign3A_28 = arith.cmpi slt, %add3A_24, %sign3A_27 : i32
    %sign3A_29 = arith.extui %sign3A_28 : i1 to i32
    %sign3A_30 = arith.subi %sign3A_26, %sign3A_29 : i32
    %sign3A_31 = arith.constant 0 : i32
    %sign3A_32 = arith.cmpi sgt, %jit3A, %sign3A_31 : i32
    %sign3A_33 = arith.extui %sign3A_32 : i1 to i32
    %sign3A_34 = arith.constant 0 : i32
    %sign3A_35 = arith.cmpi slt, %jit3A, %sign3A_34 : i32
    %sign3A_36 = arith.extui %sign3A_35 : i1 to i32
    %sign3A_37 = arith.subi %sign3A_33, %sign3A_36 : i32
    %ne3A = arith.cmpi ne, %sign3A_30, %sign3A_37 : i32
    %rem3A = arith.remsi %add3A_24, %jit3A : i32
    %ne3A_38 = arith.constant 0 : i32
    %ne3A_39 = arith.cmpi ne, %rem3A, %ne3A_38 : i32
    %and3A = arith.andi %ne3A, %ne3A_39 : i1
    %sub3A = arith.constant 1 : i32
    %sub3A_40 = arith.subi %div3A, %sub3A : i32
    %select_n3A = arith.select %and3A, %sub3A_40, %div3A : i32
    %multiple_of3A = tpu.assume_multiple %select_n3A, 8 : i32
    %dma_wait3A = arith.constant 0 : i32
    %dma_wait3A_41 = tpu.memref_slice %arg4[%multiple_of3A, %dma_wait3A] : memref<409600x128xf32, #tpu.memory_space<hbm>> -> memref<64x128xf32, #tpu.memory_space<hbm>>
    %dma_wait3A_42 = arith.constant 0 : i32
    %dma_wait3A_43 = tpu.memref_slice %arg4[%multiple_of3A, %dma_wait3A_42] : memref<409600x128xf32, #tpu.memory_space<hbm>> -> memref<64x128xf32, #tpu.memory_space<hbm>>
    tpu.wait_dma2 semaphore(%arg12 : memref<!tpu.dma_semaphore, #tpu.memory_space<semaphore_mem>>) src(%arg9 : memref<64x128xf32, #tpu.memory_space<vmem>>) dst(%dma_wait3A_43 : memref<64x128xf32, #tpu.memory_space<hbm>>)
    %add3A_44 = arith.constant 25472 : i32
    %add3A_45 = arith.addi %mul3A_2, %add3A_44 : i32
    %jit3A_46 = arith.constant 2 : i32
    %div3A_47 = arith.divsi %add3A_45, %jit3A_46 : i32
    %sign3A_48 = arith.constant 0 : i32
    %sign3A_49 = arith.cmpi sgt, %add3A_45, %sign3A_48 : i32
    %sign3A_50 = arith.extui %sign3A_49 : i1 to i32
    %sign3A_51 = arith.constant 0 : i32
    %sign3A_52 = arith.cmpi slt, %add3A_45, %sign3A_51 : i32
    %sign3A_53 = arith.extui %sign3A_52 : i1 to i32
    %sign3A_54 = arith.subi %sign3A_50, %sign3A_53 : i32
    %sign3A_55 = arith.constant 0 : i32
    %sign3A_56 = arith.cmpi sgt, %jit3A_46, %sign3A_55 : i32
    %sign3A_57 = arith.extui %sign3A_56 : i1 to i32
    %sign3A_58 = arith.constant 0 : i32
    %sign3A_59 = arith.cmpi slt, %jit3A_46, %sign3A_58 : i32
    %sign3A_60 = arith.extui %sign3A_59 : i1 to i32
    %sign3A_61 = arith.subi %sign3A_57, %sign3A_60 : i32
    %ne3A_62 = arith.cmpi ne, %sign3A_54, %sign3A_61 : i32
    %rem3A_63 = arith.remsi %add3A_45, %jit3A_46 : i32
    %ne3A_64 = arith.constant 0 : i32
    %ne3A_65 = arith.cmpi ne, %rem3A_63, %ne3A_64 : i32
    %and3A_66 = arith.andi %ne3A_62, %ne3A_65 : i1
    %sub3A_67 = arith.constant 1 : i32
    %sub3A_68 = arith.subi %div3A_47, %sub3A_67 : i32
    %select_n3A_69 = arith.select %and3A_66, %sub3A_68, %div3A_47 : i32
    %multiple_of3A_70 = tpu.assume_multiple %select_n3A_69, 8 : i32
    %dma_wait3A_71 = arith.constant 0 : i32
    %dma_wait3A_72 = tpu.memref_slice %arg4[%multiple_of3A_70, %dma_wait3A_71] : memref<409600x128xf32, #tpu.memory_space<hbm>> -> memref<64x128xf32, #tpu.memory_space<hbm>>
    %dma_wait3A_73 = arith.constant 0 : i32
    %dma_wait3A_74 = tpu.memref_slice %arg4[%multiple_of3A_70, %dma_wait3A_73] : memref<409600x128xf32, #tpu.memory_space<hbm>> -> memref<64x128xf32, #tpu.memory_space<hbm>>
    tpu.wait_dma2 semaphore(%arg12 : memref<!tpu.dma_semaphore, #tpu.memory_space<semaphore_mem>>) src(%arg10 : memref<64x128xf32, #tpu.memory_space<vmem>>) dst(%dma_wait3A_74 : memref<64x128xf32, #tpu.memory_space<hbm>>)
    return
  }
}

</mosaic_0001>

<sc_bundles>
// kernel: kernel.3.cloned.1.call-start
scs
__scs_entry_jumppad:
0x0: {  	(pc) =	sbr.rel $0x88, $3  }
0x1: {  	(tag) =	ssettag $0x0;
	lr =	simm.s32 $0x1  }
0x2: {  	[smem:$0x3F9F] =	sst lr;
	_ =	strace $0xD0000000  }
0x3: {  	_ = 	snop  }
0x4: {  	_ = 	snop  }
0x5: {  	_ = 	snop  }
0x6: {  	_ = 	snop  }
0x7: {  	_ = 	snop  }
__scs_overlays_trampoline_lowered:
0x8: {  	[smem:$0x3FAE] =	sst s0  }
0x9: {  	[smem:$0x3FAF] =	sst s1  }
0xa: {  	[smem:$0x3FB0] =	sst s2  }
0xb: {  	[smem:$0x3FB1] =	sst s3  }
0xc: {  	[smem:$0x3FB2] =	sst s4  }
0xd: {  	[smem:$0x3FB3] =	sst s5  }
0xe: {  	[smem:$0x3FB4] =	sst s6  }
0xf: {  	[smem:$0x3FB5] =	sst s7  }
0x10: {  	[smem:$0x3FB6] =	sst s8  }
0x11: {  	[smem:$0x3FB7] =	sst s9;
	s0 =	simm.s32 @!p0 $0x0  }
0x12: {  	s1 =	sld [smem:$0x3F9D];
	s0 =	simm.s32 @p0 $0x1  }
0x13: {  	[smem:$0x3FB8] =	sst s0;
	s0 =	simm.s32 @!p1 $0x0  }
0x14: {  	s2 =	sld [smem:$0x3F9C];
	s0 =	simm.s32 @p1 $0x1  }
0x15: {  	[smem:$0x3FB9] =	sst s0;
	s0 =	simm.s32 @!p2 $0x0  }
0x16: {  	s3 =	sld [smem:$0x3FDB];
	s0 =	simm.s32 @p2 $0x1  }
0x17: {  	s4 =	simm.s32 $0x1BF5;
	[smem:$0x3FBB] =	sst s0  }
0x18: {  	s0 =	sld [smem:$0x3F9E];
	_ =	swait.ge [sflag:s4], $0x0  }
0x19: {  	s7 =	sld [smem:$0x3F9F]  }
0x1a: {  	s8 =	sadd.s32 $0xFFFFE003, lr  }
0x1b: {  	s9 =	sadd.s32 $0xFFFFFEF7, lr;
	s5 =	simm.s32 $0xFFFFFFFF;
	p2 =	slt.u32 s8, $0xFFFFF086  }
0x1c: {  	p1 =	slt.u32 s9, $0xF7A;
	s5 =	simm.s32 @!p2 $0x0  }
0x1d: {  	s5 =	simm.s32 @p1 $0x1;
	p0 =	seq.s32 s7, s2  }
0x1e: {  	s7 =	smul.u32 @!p0 $0xF7A, s2;
	p2 =	seq.s32 @!p0 s5, $0x0  }
0x1f: {  	s9 =	smul.u32 $0xF7A, s1;
	s8 =	simm.s32 @!p0 $0x1BF5;
	p2 =	por !p2, p0  }
0x20: {  	[sflag:s8] =	ssyncset.s32 @!p0 $0xFFFFF086;
	s6 =	sadd.s32 @!p0 s3, s7;
	s7 =	simm.s32 @!p0 $0x108  }
0x21: {  	s3 =	sadd.s32 s3, s9;
	s6 =	sadd.s32 @!p0 $0x88, s6;
	s7 =	simm.s32 @p2 $0x1082  }
0x22: {  	[simem:s7], [sflag:s8] =	dma.local @!p0 [hbm:s6], $0xF7A  }
0x23: {  	s9 =	sor.u32 $0xD0000000, s2;
	s6 =	simm.s32 $0x108;
	_ =	swait.ge @!p0 [sflag:s8], $0x0  }
0x24: {  	s3 =	sadd.s32 $0x88, s3;
	s6 =	simm.s32 @!p1 $0x1082;
	[sflag:s4] =	ssyncset.s32 $0xFFFFF086  }
0x25: {  	[simem:s6], [sflag:s4] =	dma.local [hbm:s3], $0xF7A  }
0x26: {  	[smem:$0x3F9F] =	sst s1;
	(tag) =	ssettag s2;
	_ =	strace s9  }
0x27: {  	s1 =	sld [smem:$0x3FAF]  }
0x28: {  	s2 =	sld [smem:$0x3FB0]  }
0x29: {  	s4 =	sld [smem:$0x3FB2]  }
0x2a: {  	p0 =	seq.s32 s5, $0x0;
	s5 =	sld [smem:$0x3FB3]  }
0x2b: {  	s6 =	sld [smem:$0x3FB4]  }
0x2c: {  	s7 =	sld [smem:$0x3FB5]  }
0x2d: {  	s3 =	simm.s32 $0x108;
	s8 =	sld [smem:$0x3FB6]  }
0x2e: {  	s3 =	simm.s32 @!p0 $0x1082;
	s9 =	sld [smem:$0x3FB7]  }
0x2f: {  	lr =	sadd.s32 s0, s3;
	s0 =	sld [smem:$0x3FAE]  }
0x30: {  	s3 =	sld [smem:$0x3FB1]  }
0x31: {  	[smem:$0x3FBA] =	sst s10  }
0x32: {  	s10 =	sld [smem:$0x3FB8];
	_ =	sdelay $0x3  }
0x33: {  	p0 =	seq.s32 s10, $0x1;
	s10 =	sld [smem:$0x3FBA];
	_ =	sdelay $0x3  }
0x34: {  	[smem:$0x3FBA] =	sst s10  }
0x35: {  	s10 =	sld [smem:$0x3FB9];
	_ =	sdelay $0x3  }
0x36: {  	p1 =	seq.s32 s10, $0x1;
	s10 =	sld [smem:$0x3FBA];
	_ =	sdelay $0x3  }
0x37: {  	[smem:$0x3FBA] =	sst s10  }
0x38: {  	s10 =	sld [smem:$0x3FBB]  }
0x39: {  	_ = 	snop;
	(pc) =	sbr.ind lr, $3  }
0x3a: {  	_ = 	snop  }
0x3b: {  	_ = 	snop  }
0x3c: {  	p2 =	seq.s32 s10, $0x1;
	s10 =	sld [smem:$0x3FBA]  }
0x3d: {  	_ =	shalt  }
0x3e: {  	_ =	shalt  }
0x3f: {  	_ =	shalt  }
0x40: {  	_ =	shalt  }
0x41: {  	_ =	shalt  }
0x42: {  	_ =	shalt  }
0x43: {  	_ =	shalt  }
0x44: {  	_ =	shalt  }
0x45: {  	_ =	shalt  }
0x46: {  	_ =	shalt  }
0x47: {  	_ =	shalt  }
0x48: {  	_ =	shalt  }
0x49: {  	_ =	shalt  }
0x4a: {  	_ =	shalt  }
0x4b: {  	_ =	shalt  }
0x4c: {  	_ =	shalt  }
0x4d: {  	_ =	shalt  }
0x4e: {  	_ =	shalt  }
0x4f: {  	_ =	shalt  }
0x50: {  	_ =	shalt  }
0x51: {  	_ =	shalt  }
0x52: {  	_ =	shalt  }
0x53: {  	_ =	shalt  }
0x54: {  	_ =	shalt  }
0x55: {  	_ =	shalt  }
0x56: {  	_ =	shalt  }
0x57: {  	_ =	shalt  }
0x58: {  	_ =	shalt  }
0x59: {  	_ =	shalt  }
0x5a: {  	_ =	shalt  }
0x5b: {  	_ =	shalt  }
0x5c: {  	_ =	shalt  }
0x5d: {  	_ =	shalt  }
0x5e: {  	_ =	shalt  }
0x5f: {  	_ =	shalt  }
0x60: {  	_ =	shalt  }
0x61: {  	_ =	shalt  }
0x62: {  	_ =	shalt  }
0x63: {  	_ =	shalt  }
0x64: {  	_ =	shalt  }
0x65: {  	_ =	shalt  }
0x66: {  	_ =	shalt  }
0x67: {  	_ =	shalt  }
0x68: {  	_ =	shalt  }
0x69: {  	_ =	shalt  }
0x6a: {  	_ =	shalt  }
0x6b: {  	_ =	shalt  }
0x6c: {  	_ =	shalt  }
0x6d: {  	_ =	shalt  }
0x6e: {  	_ =	shalt  }
0x6f: {  	_ =	shalt  }
0x70: {  	_ =	shalt  }
0x71: {  	_ =	shalt  }
0x72: {  	_ =	shalt  }
0x73: {  	_ =	shalt  }
0x74: {  	_ =	shalt  }
0x75: {  	_ =	shalt  }
0x76: {  	_ =	shalt  }
0x77: {  	_ =	shalt  }
0x78: {  	_ =	shalt  }
0x79: {  	_ =	shalt  }
0x7a: {  	_ =	shalt  }
0x7b: {  	_ =	shalt  }
0x7c: {  	_ =	shalt  }
0x7d: {  	_ =	shalt  }
0x7e: {  	_ =	shalt  }
0x7f: {  	_ =	shalt  }
0x80: {  	_ =	shalt  }
0x81: {  	_ =	shalt  }
0x82: {  	_ =	shalt  }
0x83: {  	_ =	shalt  }
0x84: {  	_ =	shalt  }
0x85: {  	_ =	shalt  }
0x86: {  	_ =	shalt  }
0x87: {  	_ =	shalt  }
.Lfunc_end0:
.L_simem_size_0:
called_computation.1_lowered:
.L_overlay_start_0:
0x88: {  	s2 =	sld [smem:$0x3FD9]  }
0x89: {  	s3 =	sld [smem:$0x3FFE];
	_ =	sdelay $0x1  }
0x8a: {  	s1 =	srdreg.scid  }
0x8b: {  	s0 =	sand.u32 $0x1, s1  }
0x8c: {  	s17 =	sshll.u32 s0, $0xA;
	s2 =	sadd.s32 s3, s2  }
0x8d: {  	s2 =	sadd.s32 s2, s17  }
0x8e: {  	[smem:$0x3FC6] =	sst s2  }
0x8f: {  	_ = 	snop  }
0x90: {  	s2 =	sld [smem:$0x3FD0];
	(tm) =	ssettm $0x1  }
0x91: {  	s18 =	sld [smem:$0x3FFB];
	_ =	sdelay $0x3  }
0x92: {  	_ =	strace s18  }
0x93: {  	s3 =	sld [smem:$0x3FFC];
	_ =	sdelay $0x3  }
0x94: {  	_ =	strace s3  }
0x95: {  	s3 =	sld [smem:$0x3FFD];
	_ =	sdelay $0x3  }
0x96: {  	_ =	strace s3  }
0x97: {  	_ =	strace $0x8FFFFFFF  }
0x98: {  	s19 =	sld [smem:$0x3FDB];
	_ =	sdelay $0x1  }
0x99: {  	s4 =	simm.s32 $_scs_section_size  }
0x9a: {  	s5 =	simm.s32 $_size__tile_overlayer_lowered;
	s6 =	simm.s32 $_tile_overlayer_lowered  }
0x9b: {  	s22 =	simm.s32 $0x1BFF;
	s21 =	sshll.u32 s6, $0x1;
	s3 =	sadd.s32 s4, s19  }
0x9c: {  	s7 =	simm.s32 $0x0;
	s20 =	sshll.u32 s5, $0x1;
	s5 =	sadd.s32 s21, s3  }
0x9d: {  	[timem:s7], [sflag:s22] =	dma.local [hbm:s5], s20  }
0x9e: {  	_ =	swait.ge [sflag:s22], s20  }
0x9f: {  	s4 =	ssub.s32 $0x0, s20;
	[sflag:s22] =	ssyncset.done $0x0  }
0xa0: {  	[sflag:s22] =	ssyncadd.s32 s4;
	_ =	sdelay $0x1  }
0xa1: {  	s23 =	simm.s32 $0x1B8B  }
0xa2: {  	_ =	swait.ge [sflag:s23], $0x1  }
0xa3: {  	[sflag:s23] =	ssyncset.done $0x0  }
0xa4: {  	s25 =	simm.s32 $0x1B8E;
	s24 =	sld [smem:$0x3FFE];
	[sflag:s23] =	ssyncadd.s32 $0xFFFFFFFF  }
0xa5: {  	s26 =	simm.s32 $execute0_lowered;
	[smem:$0x3FD2] =	sst s25  }
0xa6: {  	s5 =	sshll.u32 s26, $0x1;
	_ =	strace $0x80000046;
	[dreg:$0x1] =	wrdreg $0xFFFFFFFF  }
0xa7: {  	s28 =	simm.s32 $_size_execute0_lowered;
	s3 =	sadd.s32 s3, s5;
	[dreg:$0x0] =	wrdreg $0x0  }
0xa8: {  	s5 =	sshll.u32 s28, $0x1;
	[dreg:$0x2] =	wrdreg s3  }
0xa9: {  	[dreg:$0x3] =	wrdreg s5  }
0xaa: {  	[dreg:$0x4] =	wrdreg $0xC0  }
0xab: {  	_ =	task [dreg:s7], $0x5FFFF  }
0xac: {  	[dreg:$0x1] =	wrdreg $0xFFFFFFFF  }
0xad: {  	[dreg:$0x0] =	wrdreg $0x60  }
0xae: {  	[dreg:$0x2] =	wrdreg s24  }
0xaf: {  	[dreg:$0x3] =	wrdreg s2  }
0xb0: {  	[dreg:$0x4] =	wrdreg $0x9  }
0xb1: {  	_ =	task.clear_ibuf [dreg:s7], $0x5FFFF;
	_ =	strace $0x90000046  }
0xb2: {  	s29 =	simm.s32 $0x9;
	_ =	strace $0x80000048  }
0xb3: {  	_ =	swait.ge [sflag:s29], $0x1  }
0xb4: {  	[sflag:s29] =	ssyncadd.s32 $0xFFFFFFFF  }
0xb5: {  	_ =	strace $0x90000048  }
0xb6: {  	_ =	sfence  }
0xb7: {  	s30 =	sld [smem:$0x0];
	_ =	sdelay $0x2  }
0xb8: {  	s31 =	sshll.u32 s1, $0xD;
	s1 =	sshrl.u32 s1, $0x2  }
0xb9: {  	s3 =	sand.u32 $0x4000, s31;
	s1 =	sadd.s32 s1, s30  }
0xba: {  	s0 =	sor.u32 s3, s0;
	s1 =	sshll.u32 s1, $0x11  }
0xbb: {  	s0 =	sor.u32 s1, s0  }
0xbc: {  	s0 =	sadd.s32 $0x8F2B, s0  }
0xbd: {  	[sflag:s0] =	ssyncadd.remote.s32 $0x1  }
0xbe: {  	_ =	sfence.sel $0xFFFF  }
0xbf: {  	[dreg:$0x0] =	wrdreg $0xFFFFFFFF;
	(pc) =	sbr.abs _section_cstart, $3  }
0xc0: {  	[dreg:$0x1] =	wrdreg $0xFFFFFFFF  }
0xc1: {  	_ =	task.clear_ibuf [dreg:s7], $0x2FFFF;
	_ =	strace $0x9FFFFFFF  }
0xc2: {  	(tm) =	ssettm $0x7FFFFFFF  }
0xc3: {  	_ =	shalt  }
tec
execute0_lowered:
.L_overlay_start_1:
0x0: {  	(tag) =	ssettag $0x1  }
0x1: {  	s5 =	rddreg [dreg:$0x0];
	s1 =	srdreg.scid  }
0x2: {  	s0 =	stileid.u32;
	s2 =	rddreg [dreg:$0x1];
	s3 =	simm.s32 $0x0  }
0x3: {  	s9 =	simm.s32 $0x6480;
	s10 =	simm.s32 $0xC880;
	s11 =	simm.s32 $0x6500  }
0x4: {  	s12 =	simm.s32 $0x10880;
	s13 =	simm.s32 $0x1;
	s14 =	simm.s32 $0x14880  }
0x5: {  	s15 =	simm.s32 $0x16880;
	s16 =	simm.s32 $0x2;
	s17 =	simm.s32 $0x80  }
0x6: {  	s18 =	simm.s32 $0x0;
	s4 =	sand.u32 $0x1, s1;
	s6 =	sshll.u32 s0, $0x1  }
.Ltmp0:
0x7: {  	s1 =	rddreg [dreg:$0x2];
	s6 =	sor.u32 s4, s6;
	(pc) =	sbr.rel .LBB2_1-.Ltmp0, $4  }
0x8: {  	[smem:$0x7FF] =	sst s3;
	s8 =	ssub.s32 $0x2, s4;
	s7 =	smul.u32 $0xC80, s6  }
0x9: {  	_ =	strace $0x80000047;
	s4 =	sadd.s32 $0xF42E00, s5;
	s31 =	sshrl.u32 s8, $0x1  }
0xa: {  	s6 =	smul.u32 $0x190000, s6;
	s5 =	sadd.s32 s7, s5;
	s7 =	ssub.s32 s8, s31  }
0xb: {  	s8 =	simm.s32 $0x3;
	s5 =	sadd.s32 $0xA00, s5;
	s7 =	smax.u32 s7, $0x1  }
.LBB2_10:
0xc: {  	s18 =	sadd.s32 $0x1, s18  }
0xd: {  	_ =	swait.ge [sflag:s16], $0x2000;
	p0 =	sne.s32 s18, s7  }
.Ltmp1:
0xe: {  	[sflag:s16] =	ssyncset.done $0x0;
	(pc) =	sbr.rel @!p0 .LBB2_11-.Ltmp1, $4  }
0xf: {  	[sflag:s16] =	ssyncadd.s32 $0xFFFFE000  }
0x10: {  	_ =	swait.ge [sflag:s16], $0x2000  }
0x11: {  	[sflag:s16] =	ssyncset.done $0x0  }
0x12: {  	[sflag:s16] =	ssyncadd.s32 $0xFFFFE000  }
.LBB2_1:
0x13: {  	[tilespmem:s3], [sflag:$0x3] =	stream.linear.gather [hbm4b:s5+s3], $0x6400, $0x38;
	[tilespmem:$0x18880] =	vst v63  }
0x14: {  	_ =	swait.ge [sflag:s8], $0x6400  }
0x15: {  	[sflag:s8] =	ssyncset.done $0x0  }
0x16: {  	s19 =	simm.s32 $0x0;
	[sflag:s8] =	ssyncadd.s32 $0xFFFF9C00  }
0x17: {  	v2 =	vld [tilespmem:s19+$0x30]  }
0x18: {  	v3 =	vld [tilespmem:s19+$0x0]  }
0x19: {  	v0 =	vld [tilespmem:s19+$0x10]  }
0x1a: {  	s20 =	simm.s32 $0x100;
	v1 =	vld [tilespmem:s19+$0x20]  }
.LBB2_2:
0x1b: {  	p0 =	sne.s32 s20, $0x18F00  }
.Ltmp2:
0x1c: {  	s21 =	sshra.s32 s20, $0x2;
	s20 =	sadd.s32 $0x100, s20;
	v4 =	vshrl.u32 v2, $0x1;
	(pc) =	sbr.rel @p0 .LBB2_2-.Ltmp2, $4  }
0x1d: {  	v2 =	vld [tilespmem:s21+$0x30];
	v5 =	vshrl.u32 v3, $0x1;
	[tilespmem:s19+$0x64B0] =	vst v4  }
0x1e: {  	v3 =	vld [tilespmem:s21+$0x0];
	[tilespmem:s19+$0x6480] =	vst v5;
	v4 =	vshrl.u32 v0, $0x1  }
0x1f: {  	v0 =	vld [tilespmem:s21+$0x10];
	[tilespmem:s19+$0x6490] =	vst v4;
	v4 =	vshrl.u32 v1, $0x1  }
0x20: {  	v1 =	vld [tilespmem:s21+$0x20];
	[tilespmem:s19+$0x64A0] =	vst v4;
	s19 =	smov.u32 s21  }
0x21: {  	_ = 	snop  }
0x22: {  	v2 =	vshrl.u32 v2, $0x1  }
0x23: {  	v3 =	vshrl.u32 v3, $0x1;
	[tilespmem:s19+$0x64B0] =	vst v2  }
0x24: {  	[tilespmem:s19+$0x6480] =	vst v3;
	v0 =	vshrl.u32 v0, $0x1  }
0x25: {  	[tilespmem:s19+$0x6490] =	vst v0;
	v63 =	vshrl.u32 v1, $0x1  }
0x26: {  	[tilespmem:s19+$0x64A0] =	vst v63;
	s19 =	simm.s32 $0x80  }
0x27: {  	[tilespmem:s10], [sflag:$0x1] =	stream.indirect.gather [hbm4b:s4+s19], $0x80, s9, s19, $0xb8;
	[tilespmem:$0x18880] =	vst v63  }
0x28: {  	s20 =	simm.s32 $0x0;
	s21 =	simm.s32 $0x0;
	s22 =	simm.s32 $0x0  }
0x29: {  	[tilespmem:s12], [sflag:$0x1] =	stream.indirect.gather [hbm4b:s4+s19], $0x80, s11, s19, $0xb8;
	[tilespmem:$0x18880] =	vst v63  }
.LBB2_4:
0x2a: {  	_ =	swait.ge [sflag:s13], $0x4000  }
0x2b: {  	p0 =	seq.s32 s22, $0x0;
	[sflag:s13] =	ssyncset.done $0x0  }
0x2c: {  	s23 =	simm.s32 @!p0 $0x2;
	[sflag:s13] =	ssyncadd.s32 $0xFFFFC000  }
0x2d: {  	_ =	swait.ge @!p0 [sflag:s23], $0x2000  }
0x2e: {  	[sflag:s23] =	ssyncset.done @!p0 $0x0  }
0x2f: {  	[sflag:s23] =	ssyncadd.s32 @!p0 $0xFFFFE000  }
0x30: {  	v0 =	vld [tilespmem:s21+$0x0];
	_ =	sdelay $0x4  }
0x31: {  	(v2sf) =	vpush v0, $0x0;
	_ =	sdelay $0xe  }
0x32: {  	s30 =	spop (v2sf)  }
0x33: {  	s23 =	sand.u32 $0x1, s30  }
0x34: {  	s23 =	sshll.u32 s23, $0x6  }
0x35: {  	s28 =	sadd.s32 $0xC880, s23  }
0x36: {  	v0 =	vld [tilespmem:s28+$0x0];
	_ =	sdelay $0x3  }
0x37: {  	s31 =	sand.u32 $0x1FC0, s20  }
0x38: {  	[tilespmem:s31+$0x14880] =	vst v0  }
0x39: {  	v0 =	vld [tilespmem:s28+$0x10];
	_ =	sdelay $0x3  }
0x3a: {  	s29 =	sadd.s32 $0x14880, s31  }
0x3b: {  	[tilespmem:s29+$0x10] =	vst v0  }
0x3c: {  	v0 =	vld [tilespmem:s28+$0x20];
	_ =	sdelay $0x4  }
0x3d: {  	s24 =	sshll.u32 s22, $0x1;
	s25 =	simm.s32 $0xC880;
	[tilespmem:s29+$0x20] =	vst v0  }
0x3e: {  	s26 =	simm.s32 $0x40;
	s23 =	sshll.u32 s22, $0xA;
	v0 =	vld [tilespmem:s28+$0x30];
	s28 =	smov.u32 s21  }
.LBB2_5:
0x3f: {  	_ =	sdelay $0x3  }
0x40: {  	p1 =	sne.s32 s26, $0x1FC0;
	s28 =	sadd.s32 $0x1, s28;
	s25 =	sadd.s32 $0x80, s25;
	[tilespmem:s29+$0x30] =	vst v0  }
0x41: {  	s29 =	smov.u32 s26;
	s26 =	sadd.s32 $0x40, s26;
	v0 =	vld [tilespmem:s28+$0x0];
	_ =	sdelay $0x4  }
0x42: {  	(v2sf) =	vpush v0, $0x0;
	_ =	sdelay $0xe  }
0x43: {  	s30 =	spop (v2sf)  }
0x44: {  	s30 =	sand.u32 $0x1, s30  }
0x45: {  	s30 =	sshll.u32 s30, $0x6  }
0x46: {  	s30 =	sadd.s32 s30, s25  }
0x47: {  	v0 =	vld [tilespmem:s30+$0x0];
	_ =	sdelay $0x3  }
0x48: {  	s29 =	sand.u32 $0x1FC0, s29  }
0x49: {  	[tilespmem:s29+$0x14880] =	vst v0  }
0x4a: {  	v0 =	vld [tilespmem:s30+$0x10];
	_ =	sdelay $0x3  }
0x4b: {  	s29 =	sadd.s32 $0x14880, s29  }
0x4c: {  	[tilespmem:s29+$0x10] =	vst v0  }
0x4d: {  	v0 =	vld [tilespmem:s30+$0x20];
	_ =	sdelay $0x1  }
.Ltmp3:
0x4e: {  	(pc) =	sbr.rel @p1 .LBB2_5-.Ltmp3, $3  }
0x4f: {  	_ =	sdelay $0x1  }
0x50: {  	[tilespmem:s29+$0x20] =	vst v0  }
0x51: {  	v0 =	vld [tilespmem:s30+$0x30]  }
0x52: {  	_ = 	snop  }
0x53: {  	s25 =	sshll.u32 s22, $0xE  }
0x54: {  	s25 =	sadd.s32 s6, s25  }
0x55: {  	s25 =	sshrl.u32 s25, $0x3  }
0x56: {  	p1 =	seq.s32 s22, $0x63;
	s25 =	sadd.s32 s2, s25;
	[tilespmem:s29+$0x30] =	vst v0  }
0x57: {  	[hbm4b:s25+s3] =	stream.linear.scatter [tilespmem:s14], [sflag:$0x2], $0x2000, $0x38;
	[tilespmem:$0x18880] =	vst v63  }
0x58: {  	s25 =	sshrl.u32 @!p1 s23, $0x2  }
0x59: {  	s26 =	simm.s32 @!p1 $0x80;
	s28 =	simm.s32 @!p1 $0xC880;
	s25 =	sadd.s32 @!p1 $0x6580, s25  }
0x5a: {  	[tilespmem:s28], [sflag:$0x1] =	stream.indirect.gather @!p1 [hbm4b:s4+s26], $0x80, s25, s26, $0xb8;
	[tilespmem:$0x18880] =	vst v63  }
0x5b: {  	_ =	swait.ge [sflag:s13], $0x4000  }
0x5c: {  	[sflag:s13] =	ssyncset.done $0x0  }
0x5d: {  	s25 =	simm.s32 @!p0 $0x2;
	[sflag:s13] =	ssyncadd.s32 $0xFFFFC000  }
0x5e: {  	_ =	swait.ge @!p0 [sflag:s25], $0x2000  }
0x5f: {  	[sflag:s25] =	ssyncset.done @!p0 $0x0  }
0x60: {  	[sflag:s25] =	ssyncadd.s32 @!p0 $0xFFFFE000  }
0x61: {  	v0 =	vld [tilespmem:s19+$0x0];
	_ =	sdelay $0x4  }
0x62: {  	(v2sf) =	vpush v0, $0x0;
	_ =	sdelay $0xe  }
0x63: {  	s30 =	spop (v2sf)  }
0x64: {  	s25 =	sand.u32 $0x1, s30  }
0x65: {  	s25 =	sshll.u32 s25, $0x6  }
0x66: {  	s28 =	sadd.s32 $0x10880, s25  }
0x67: {  	v0 =	vld [tilespmem:s28+$0x0];
	_ =	sdelay $0x2  }
0x68: {  	s31 =	simm.s32 $0x0  }
0x69: {  	s25 =	sand.u32 $0x1FC0, s31  }
0x6a: {  	[tilespmem:s25+$0x16880] =	vst v0  }
0x6b: {  	v0 =	vld [tilespmem:s28+$0x10];
	_ =	sdelay $0x3  }
0x6c: {  	s29 =	sadd.s32 $0x16880, s25  }
0x6d: {  	[tilespmem:s29+$0x10] =	vst v0  }
0x6e: {  	v0 =	vld [tilespmem:s28+$0x20];
	_ =	sdelay $0x4  }
0x6f: {  	s24 =	sor.u32 $0x1, s24;
	[tilespmem:s29+$0x20] =	vst v0  }
0x70: {  	s26 =	simm.s32 $0x40;
	s25 =	simm.s32 $0x10880;
	v0 =	vld [tilespmem:s28+$0x30];
	s28 =	smov.u32 s19  }
.LBB2_7:
0x71: {  	_ =	sdelay $0x3  }
0x72: {  	p0 =	sne.s32 s26, $0x1FC0;
	s25 =	sadd.s32 $0x80, s25;
	s28 =	sadd.s32 $0x1, s28;
	[tilespmem:s29+$0x30] =	vst v0  }
0x73: {  	s29 =	smov.u32 s26;
	s26 =	sadd.s32 $0x40, s26;
	v0 =	vld [tilespmem:s28+$0x0];
	_ =	sdelay $0x4  }
0x74: {  	(v2sf) =	vpush v0, $0x0;
	_ =	sdelay $0xe  }
0x75: {  	s30 =	spop (v2sf)  }
0x76: {  	s30 =	sand.u32 $0x1, s30  }
0x77: {  	s30 =	sshll.u32 s30, $0x6  }
0x78: {  	s30 =	sadd.s32 s30, s25  }
0x79: {  	v0 =	vld [tilespmem:s30+$0x0];
	_ =	sdelay $0x3  }
0x7a: {  	s29 =	sand.u32 $0x1FC0, s29  }
0x7b: {  	[tilespmem:s29+$0x16880] =	vst v0  }
0x7c: {  	v0 =	vld [tilespmem:s30+$0x10];
	_ =	sdelay $0x3  }
0x7d: {  	s29 =	sadd.s32 $0x16880, s29  }
0x7e: {  	[tilespmem:s29+$0x10] =	vst v0  }
0x7f: {  	v0 =	vld [tilespmem:s30+$0x20];
	_ =	sdelay $0x1  }
.Ltmp4:
0x80: {  	(pc) =	sbr.rel @p0 .LBB2_7-.Ltmp4, $3  }
0x81: {  	_ =	sdelay $0x1  }
0x82: {  	[tilespmem:s29+$0x20] =	vst v0  }
0x83: {  	v0 =	vld [tilespmem:s30+$0x30]  }
0x84: {  	_ = 	snop  }
.Ltmp5:
0x85: {  	s24 =	sshll.u32 s24, $0xD;
	(pc) =	sbr.rel @p1 .LBB2_10-.Ltmp5, $4  }
0x86: {  	s24 =	sadd.s32 s6, s24  }
0x87: {  	s24 =	sshrl.u32 s24, $0x3  }
0x88: {  	s24 =	sadd.s32 s2, s24;
	[tilespmem:s29+$0x30] =	vst v0  }
0x89: {  	[hbm4b:s24+s3] =	stream.linear.scatter [tilespmem:s15], [sflag:$0x2], $0x2000, $0x38;
	[tilespmem:$0x18880] =	vst v63  }
.Ltmp6:
0x8a: {  	(pc) =	sbr.rel .LBB2_4-.Ltmp6, $4  }
0x8b: {  	_ = 	snop  }
0x8c: {  	s23 =	sshrl.u32 s23, $0x2;
	s22 =	sadd.s32 $0x1, s22  }
0x8d: {  	s21 =	sadd.s32 $0x100, s21;
	s19 =	sadd.s32 $0x100, s19;
	s23 =	sadd.s32 $0x6600, s23  }
0x8e: {  	[tilespmem:s12], [sflag:$0x1] =	stream.indirect.gather [hbm4b:s4+s17], $0x80, s23, s17, $0xb8;
	[tilespmem:$0x18880] =	vst v63  }
.LBB2_11:
0x8f: {  	_ =	sfence.sel $0x180000  }
0x90: {  	[bflag:$0x0] =	sbarrier.arrive $0xFFFF  }
0x91: {  	p0 =	sne.s32 s0, $0x0;
	_ =	strace $0x90000047  }
0x92: {  	s0 =	sadd.s32 @!p0 $0x100000, s1;
	[bflag:$0x2] =	sbarrier.arrive $0xFFFF  }
0x93: {  	[sflag:s0] =	ssyncadd.tile.s32 @!p0 $0x1;
	_ =	shalt  }
.Lfunc_end2:
_tile_overlayer_lowered:
.L_overlay_start_2:
0x94: {  	(tag) =	ssettag $0x2  }
0x95: {  	s0 =	rddreg [dreg:$0x0];
	s2 =	stileid.u32  }
0x96: {  	s1 =	rddreg [dreg:$0x1];
	p0 =	sne.s32 s2, $0x0  }
0x97: {  	s3 =	rddreg [dreg:$0x2];
	[bflag:$0x3] =	sbarrier.arrive $0xFFFF;
	s2 =	simm.s32 @!p0 $0x1C03  }
0x98: {  	[timem:s3], [sflag:s2] =	dma.local @!p0 [hbm:s0], s1  }
0x99: {  	s0 =	simm.s32 @!p0 $0x3  }
0x9a: {  	_ =	swait.ge @!p0 [sflag:s0], s1  }
0x9b: {  	s1 =	ssub.s32 @!p0 $0x0, s1;
	[sflag:s0] =	ssyncset.done @!p0 $0x0  }
0x9c: {  	[sflag:s0] =	ssyncadd.s32 @!p0 s1  }
0x9d: {  	[bflag:$0x3] =	sbarrier.arrive $0xFFFF  }
0x9e: {  	_ =	shalt  }

// kernel: sparse-core-data-format-call.cloned.1.call-start
scs
called_computation_lowered:
.L_overlay_start_0:
0x0: {  	s2 =	sld [smem:$0x3FD9]  }
0x1: {  	s3 =	sld [smem:$0x3FFE];
	_ =	sdelay $0x1  }
0x2: {  	s1 =	srdreg.scid  }
0x3: {  	s0 =	sand.u32 $0x1, s1  }
0x4: {  	s18 =	sshll.u32 s0, $0xA;
	s2 =	sadd.s32 s3, s2  }
0x5: {  	s2 =	sadd.s32 s2, s18  }
0x6: {  	[smem:$0x3FC6] =	sst s2  }
0x7: {  	_ = 	snop  }
0x8: {  	s2 =	sld [smem:$0x3FD0];
	(tm) =	ssettm $0x1  }
0x9: {  	s19 =	sld [smem:$0x3FFB];
	_ =	sdelay $0x3  }
0xa: {  	_ =	strace s19  }
0xb: {  	s3 =	sld [smem:$0x3FFC];
	_ =	sdelay $0x3  }
0xc: {  	_ =	strace s3  }
0xd: {  	s3 =	sld [smem:$0x3FFD];
	_ =	sdelay $0x3  }
0xe: {  	_ =	strace s3  }
0xf: {  	_ =	strace $0x8FFFFFFF  }
0x10: {  	s20 =	sld [smem:$0x3FDB];
	_ =	sdelay $0x1  }
0x11: {  	s4 =	simm.s32 $_scs_section_size  }
0x12: {  	s5 =	simm.s32 $_size__tile_overlayer_lowered;
	s6 =	simm.s32 $_tile_overlayer_lowered  }
0x13: {  	s23 =	simm.s32 $0x1BFF;
	s22 =	sshll.u32 s6, $0x1;
	s3 =	sadd.s32 s4, s20  }
0x14: {  	s7 =	simm.s32 $0x0;
	s21 =	sshll.u32 s5, $0x1;
	s5 =	sadd.s32 s22, s3  }
0x15: {  	[timem:s7], [sflag:s23] =	dma.local [hbm:s5], s21  }
0x16: {  	_ =	swait.ge [sflag:s23], s21  }
0x17: {  	s4 =	ssub.s32 $0x0, s21;
	[sflag:s23] =	ssyncset.done $0x0  }
0x18: {  	[sflag:s23] =	ssyncadd.s32 s4;
	_ =	sdelay $0x1  }
0x19: {  	s24 =	simm.s32 $0x1B8B  }
0x1a: {  	_ =	swait.ge [sflag:s24], $0x1  }
0x1b: {  	[sflag:s24] =	ssyncset.done $0x0  }
0x1c: {  	s26 =	simm.s32 $0x1B8E;
	s25 =	sld [smem:$0x3FFE];
	[sflag:s24] =	ssyncadd.s32 $0xFFFFFFFF  }
0x1d: {  	s27 =	simm.s32 $execute0_lowered;
	[smem:$0x3FD2] =	sst s26  }
0x1e: {  	s5 =	sshll.u32 s27, $0x1;
	_ =	strace $0x80000049;
	[dreg:$0x1] =	wrdreg $0xFFFFFFFF  }
0x1f: {  	s28 =	simm.s32 $_size_execute0_lowered;
	s3 =	sadd.s32 s3, s5;
	[dreg:$0x0] =	wrdreg $0x0  }
0x20: {  	s5 =	sshll.u32 s28, $0x1;
	[dreg:$0x2] =	wrdreg s3  }
0x21: {  	[dreg:$0x3] =	wrdreg s5  }
0x22: {  	[dreg:$0x4] =	wrdreg $0xC0  }
0x23: {  	_ =	task [dreg:s7], $0x5FFFF  }
0x24: {  	[dreg:$0x1] =	wrdreg $0xFFFFFFFF  }
0x25: {  	[dreg:$0x0] =	wrdreg $0x60  }
0x26: {  	[dreg:$0x2] =	wrdreg s25  }
0x27: {  	[dreg:$0x3] =	wrdreg s2  }
0x28: {  	[dreg:$0x4] =	wrdreg $0x9  }
0x29: {  	_ =	task.clear_ibuf [dreg:s7], $0x5FFFF;
	_ =	strace $0x90000049  }
0x2a: {  	s29 =	simm.s32 $0x9;
	_ =	strace $0x8000004B  }
0x2b: {  	_ =	swait.ge [sflag:s29], $0x1  }
0x2c: {  	[sflag:s29] =	ssyncadd.s32 $0xFFFFFFFF  }
0x2d: {  	_ =	strace $0x9000004B  }
0x2e: {  	_ =	sfence  }
0x2f: {  	s30 =	sld [smem:$0x0];
	_ =	sdelay $0x2  }
0x30: {  	s31 =	sshll.u32 s1, $0xD;
	s1 =	sshrl.u32 s1, $0x2  }
0x31: {  	s3 =	sand.u32 $0x4000, s31;
	s1 =	sadd.s32 s1, s30  }
0x32: {  	s0 =	sor.u32 s3, s0;
	s1 =	sshll.u32 s1, $0x11  }
0x33: {  	s0 =	sor.u32 s1, s0  }
0x34: {  	s0 =	sadd.s32 $0x8F2B, s0  }
0x35: {  	[sflag:s0] =	ssyncadd.remote.s32 $0x1  }
0x36: {  	_ =	sfence.sel $0xFFFF  }
0x37: {  	[dreg:$0x0] =	wrdreg $0xFFFFFFFF;
	(pc) =	sbr.abs _section_cstart, $3  }
0x38: {  	[dreg:$0x1] =	wrdreg $0xFFFFFFFF  }
0x39: {  	_ =	task.clear_ibuf [dreg:s7], $0x2FFFF;
	_ =	strace $0x9FFFFFFF  }
0x3a: {  	(tm) =	ssettm $0x7FFFFFFF  }
0x3b: {  	_ =	shalt  }
tec
execute0_lowered:
.L_overlay_start_1:
0x0: {  	(tag) =	ssettag $0x1  }
0x1: {  	s0 =	srdreg.scid  }
0x2: {  	s1 =	sshll.u32 s0, $0x4  }
0x3: {  	s5 =	rddreg [dreg:$0x0];
	s0 =	stileid.u32;
	s1 =	sand.u32 $0x10, s1  }
0x4: {  	s3 =	rddreg [dreg:$0x1];
	s31 =	simm.s32 $0x2;
	s4 =	sor.u32 s0, s1  }
0x5: {  	s13 =	simm.s32 $0x0;
	s9 =	simm.s32 $0x400;
	s2 =	sshll.u32 s4, $0x7  }
0x6: {  	s10 =	simm.s32 $0x8000;
	s14 =	simm.s32 $0x0;
	s6 =	ssub.s32 $0x1000, s2  }
0x7: {  	s1 =	rddreg [dreg:$0x2];
	_ =	strace $0x8000004A;
	s7 =	sand.u32 $0xF80, s6  }
0x8: {  	s4 =	sshll.u32 s4, $0xB;
	p0 =	sne.s32 s7, $0x0;
	s7 =	simm.s32 $0x1  }
.Ltmp0:
0x9: {  	s6 =	sshrl.u32 s6, $0xC;
	s7 =	simm.s32 @!p0 $0x0;
	(pc) =	sbr.rel .LBB1_1-.Ltmp0, $4  }
0xa: {  	s8 =	sadd.s32 s4, s5;
	s4 =	simm.s32 $0x1;
	s30 =	sadd.s32 s7, s6  }
0xb: {  	s11 =	simm.s32 $0x0;
	[sflag:s4] =	ssyncpa.u1 $0x0;
	s5 =	smul.u32 $0x64, s30  }
0xc: {  	s12 =	simm.s32 $0x0;
	[sflag:s31] =	ssyncpa.u1 $0x0;
	p0 =	por $0x0, $0x0  }
0xd: {  	s6 =	sadd.s32 $0xA00, s8;
	s7 =	sadd.s32 $0x10A00, s8;
	s8 =	sor.u32 $0x1, s5  }
.LBB1_7:
0xe: {  	s15 =	sadd.s32 $0x2, s11  }
0xf: {  	p2 =	sgt.s32 s15, $0xC7  }
0x10: {  	s15 =	simm.s32 @p2 $0x0;
	p2 =	sne.s32 s12, s8  }
.Ltmp1:
0x11: {  	p1 =	slt.u32 s12, $0x2;
	(pc) =	sbr.rel @!p2 .LBB1_8-.Ltmp1, $4  }
0x12: {  	s13 =	simm.s32 @!p1 $0x2  }
0x13: {  	s16 =	sadd.s32 $0x1, s12;
	s14 =	smov.u32 s11;
	_ =	swait.ge @!p1 [sflag:s13], $0x4000  }
0x14: {  	p0 =	por !p0, !p0;
	s12 =	smov.u32 s16;
	[sflag:s13] =	ssyncset.done @!p1 $0x0  }
0x15: {  	s11 =	smov.u32 s15;
	[sflag:s13] =	ssyncadd.s32 @!p1 $0xFFFFC000;
	s13 =	smov.u32 s2  }
.LBB1_1:
0x16: {  	p1 =	sge.u32 s12, s5  }
0x17: {  	s15 =	sxor.u32 @!p1 $0xFFFFFFFF, s12  }
0x18: {  	s16 =	sshll.u32 @!p1 s11, $0x10;
	s18 =	simm.s32 @!p1 $0x40;
	s15 =	sshll.u32 @!p1 s15, $0xE  }
0x19: {  	s19 =	simm.s32 @!p1 $0x80;
	s17 =	sadd.s32 @!p1 s16, s6;
	s15 =	sand.u32 @!p1 $0x4000, s15  }
0x1a: {  	[tilespmem:s15], [sflag:$0x1] =	stream.strided.gather @!p1 [hbm4b:s17+s18], $0x2000, s19, s18, $0x38;
	[tilespmem:$0x10100] =	vst v63  }
0x1b: {  	s31 =	sadd.s32 $0xFFFFFFFF, s12;
	s16 =	sadd.s32 @!p1 s16, s7;
	s15 =	sor.u32 @!p1 $0x2000, s15  }
0x1c: {  	[tilespmem:s15], [sflag:$0x1] =	stream.strided.gather @!p1 [hbm4b:s16+s18], $0x2000, s19, s18, $0x38;
	[tilespmem:$0x10100] =	vst v63  }
0x1d: {  	p1 =	sge.u32 s31, s5  }
.Ltmp2:
0x1e: {  	_ = 	snop;
	(pc) =	sbr.rel @p1 .LBB1_7-.Ltmp2, $1  }
0x1f: {  	_ =	sdelay $0x3  }
0x20: {  	s15 =	simm.s32 $0x1;
	s17 =	sand.u32 $0x1, s12  }
0x21: {  	_ =	swait.ge [sflag:s4], $0x4000;
	s15 =	simm.s32 @!p0 $0x0;
	s17 =	smul.u32 $0x10200, s17  }
0x22: {  	p2 =	por $0x1, $0x1;
	[sflag:s4] =	ssyncset.done $0x0;
	s16 =	smul.u32 $0x10200, s15  }
0x23: {  	s18 =	sshll.u32 s15, $0x10;
	[sflag:s4] =	ssyncadd.s32 $0xFFFFC000;
	s30 =	sshrl.u32 s17, $0x2  }
0x24: {  	s31 =	sshrl.u32 s18, $0x2;
	s18 =	simm.s32 $0x0;
	s16 =	sshrl.u32 s16, $0x2  }
0x25: {  	s15 =	sor.u32 $0x8000, s30;
	s17 =	sadd.s32 $0x20, s31;
	s16 =	sor.u32 $0x8000, s16  }
.LBB1_3:
0x26: {  	s19 =	sshll.u32 s18, $0xD  }
0x27: {  	s19 =	sand.u32 $0x3FFFE000, s19  }
0x28: {  	s21 =	sadd.s32 s19, s17  }
0x29: {  	s31 =	smul.u32 $0x8100, s18;
	v3 =	vld [tilespmem:s21+$0x10]  }
0x2a: {  	v1 =	vld [tilespmem:s21+$0xFFFFFFF0]  }
0x2b: {  	s18 =	sshra.s32 s31, $0x2;
	v0 =	vld [tilespmem:s21+$0x0]  }
0x2c: {  	s18 =	sadd.s32 s18, s16;
	v2 =	vld [tilespmem:s21+$0xFFFFFFE0]  }
0x2d: {  	s19 =	sadd.s32 $0x0, s18  }
0x2e: {  	p1 =	por p2, p2;
	s20 =	simm.s32 $0x4;
	s21 =	sadd.s32 $0x40, s21;
	[tilespmem:s19+$0x1830 ss:$0x81] =	vst.msk $0xffff, v3  }
.LBB1_4:
0x2f: {  	v3 =	vld [tilespmem:s21+$0x10];
	p2 =	sne.s32 s20, $0x1FC;
	[tilespmem:s19+$0x810 ss:$0x81] =	vst.msk $0xffff, v1;
	s22 =	smov.u32 s20;
	s20 =	sadd.s32 $0x4, s20  }
.Ltmp3:
0x30: {  	v1 =	vld [tilespmem:s21+$0xFFFFFFF0];
	[tilespmem:s19+$0x1020 ss:$0x81] =	vst.msk $0xffff, v0;
	(pc) =	sbr.rel @p2 .LBB1_4-.Ltmp3, $4  }
0x31: {  	v0 =	vld [tilespmem:s21+$0x0];
	[tilespmem:s19+$0x0 ss:$0x81] =	vst.msk $0xffff, v2  }
0x32: {  	s19 =	sshra.s32 s22, $0x2;
	v2 =	vld [tilespmem:s21+$0xFFFFFFE0]  }
0x33: {  	s19 =	sadd.s32 s19, s18  }
0x34: {  	s21 =	sadd.s32 $0x40, s21;
	[tilespmem:s19+$0x1830 ss:$0x81] =	vst.msk $0xffff, v3  }
.Ltmp4:
0x35: {  	(pc) =	sbr.rel @p1 .LBB1_3-.Ltmp4, $4  }
0x36: {  	_ = 	snop  }
0x37: {  	[tilespmem:s19+$0x810 ss:$0x81] =	vst.msk $0xffff, v1  }
0x38: {  	[tilespmem:s19+$0x1020 ss:$0x81] =	vst.msk $0xffff, v0  }
0x39: {  	s18 =	simm.s32 $0x1;
	p2 =	por $0x0, $0x0;
	[tilespmem:s19+$0x0 ss:$0x81] =	vst.msk $0xffff, v2  }
.Ltmp5:
0x3a: {  	(pc) =	sbr.rel .LBB1_7-.Ltmp5, $4  }
0x3b: {  	s14 =	sshll.u32 s14, $0xF  }
0x3c: {  	s14 =	sadd.s32 s3, s14  }
0x3d: {  	s13 =	sadd.s32 s13, s14  }
0x3e: {  	[hbm4b:s13+s9] =	stream.strided.scatter [tilespmem:s15], [sflag:$0x2], $0x4000, s10, s9, $0x20;
	[tilespmem:$0x10100] =	vst v63  }
.LBB1_8:
0x3f: {  	_ =	sfence.sel $0x180000  }
0x40: {  	s2 =	simm.s32 $0x1;
	[bflag:$0x0] =	sbarrier.arrive $0xFFFF  }
0x41: {  	s31 =	simm.s32 $0x2;
	[sflag:s2] =	ssyncpa.u1 $0x1  }
0x42: {  	[sflag:s31] =	ssyncpa.u1 $0x1  }
0x43: {  	p0 =	sne.s32 s0, $0x0;
	_ =	strace $0x9000004A  }
0x44: {  	s0 =	sadd.s32 @!p0 $0x100000, s1;
	[bflag:$0x2] =	sbarrier.arrive $0xFFFF  }
0x45: {  	[sflag:s0] =	ssyncadd.tile.s32 @!p0 $0x1;
	_ =	shalt  }
.Lfunc_end1:
_tile_overlayer_lowered:
.L_overlay_start_2:
0x46: {  	(tag) =	ssettag $0x2  }
0x47: {  	s0 =	rddreg [dreg:$0x0];
	s2 =	stileid.u32  }
0x48: {  	s1 =	rddreg [dreg:$0x1];
	p0 =	sne.s32 s2, $0x0  }
0x49: {  	s3 =	rddreg [dreg:$0x2];
	[bflag:$0x3] =	sbarrier.arrive $0xFFFF;
	s2 =	simm.s32 @!p0 $0x1C01  }
0x4a: {  	[timem:s3], [sflag:s2] =	dma.local @!p0 [hbm:s0], s1  }
0x4b: {  	s0 =	simm.s32 @!p0 $0x1  }
0x4c: {  	_ =	swait.ge @!p0 [sflag:s0], s1  }
0x4d: {  	s1 =	ssub.s32 @!p0 $0x0, s1;
	[sflag:s0] =	ssyncset.done @!p0 $0x0  }
0x4e: {  	[sflag:s0] =	ssyncadd.s32 @!p0 s1  }
0x4f: {  	[bflag:$0x3] =	sbarrier.arrive $0xFFFF  }
0x50: {  	_ =	shalt  }

</sc_bundles>
